<compile_context>
chip_gen: v7x
topology: tpu7x:2x2x1
jax: 0.10.2.dev20260603
libtpu: 0.0.44.dev20260713+nightly
codegen_flags: <defaults>
</compile_context>

<pallas_src>
import functools

import jax
import jax.numpy as jnp
from jax import lax
from jax.experimental import pallas as pl
from jax.experimental.pallas import tpu as pltpu
from jax.experimental.pallas import tpu_sc as plsc

NC, NS = 2, 16
NW = NC * NS


K = 80
NB = 5
PADR = 128


def _acc_geom(n):
    na = n + PADR
    npt = -(-(-(-na // NS)) // 8) * 8
    tail = na - (NS - 1) * npt
    tail_out = n - (NS - 1) * npt
    assert 0 < tail <= npt and 0 < tail_out
    return na, npt, tail, tail_out


@functools.lru_cache(maxsize=None)
def _make_agg(n, h, e, with_cnt):
    epw = e // NW
    c = -(-epw // K)
    c = -(-c // NB) * NB
    na, npt, tail, tail_out = _acc_geom(n)

    mesh = plsc.VectorSubcoreMesh(
        core_axis_name="c", subcore_axis_name="s", num_cores=NC, num_subcores=NS
    )
    out_type = [jax.ShapeDtypeStruct((n, h), jnp.float32) for _ in range(2)]
    if with_cnt:
        out_type += [jax.ShapeDtypeStruct((n,), jnp.float32) for _ in range(2)]
    scratch = (
        [pltpu.VMEM((c, K), jnp.int32), pltpu.VMEM((c, K), jnp.int32)]
        + [pltpu.VMEM((K, h), jnp.float32) for _ in range(NB)]
        + ([pltpu.VMEM((K,), jnp.float32)] if with_cnt else [])
        + [pltpu.VMEM_SHARED((na, h), jnp.float32)]
        + ([pltpu.VMEM_SHARED((na,), jnp.float32)] if with_cnt else [])
        + [pltpu.SemaphoreType.DMA for _ in range(NB)]
    )
    jhi = c // NB

    def body(*refs):
        if with_cnt:
            (p_hbm, srcg, dstg, z2, z1, ones_h, agg_a, agg_b, cnt_a, cnt_b,
             src_v, dst_v, *rest) = refs
            rows = rest[:NB]
            ones_v, acc, cnt = rest[NB], rest[NB + 1], rest[NB + 2]
            gsem = rest[NB + 3:]
        else:
            p_hbm, srcg, dstg, z2, agg_a, agg_b, src_v, dst_v, *rest = refs
            rows = rest[:NB]
            acc = rest[NB]
            gsem = rest[NB + 1:]

        cid = lax.axis_index("c")
        sid = lax.axis_index("s")
        wid = sid * NC + cid

        pltpu.sync_copy(srcg.at[wid], src_v)
        pltpu.sync_copy(dstg.at[wid], dst_v)

        @pl.when(sid < NS - 1)
        def _():
            pltpu.sync_copy(z2, acc.at[pl.ds(sid * npt, npt)])

        @pl.when(sid == NS - 1)
        def _():
            pltpu.sync_copy(z2.at[pl.ds(0, tail)],
                            acc.at[pl.ds((NS - 1) * npt, tail)])

        if with_cnt:
            pltpu.sync_copy(ones_h, ones_v)

            @pl.when(sid == 0)
            def _():
                pltpu.sync_copy(z1, cnt)

        plsc.subcore_barrier()

        for b in range(NB):
            pltpu.async_copy(p_hbm.at[src_v.at[b]], rows[b], gsem[b])

        def step(j, carry):
            for b in range(NB):
                ch = j * NB + b
                pltpu.make_async_copy(p_hbm.at[src_v.at[0]], rows[b], gsem[b]).wait()
                pltpu.sync_copy(rows[b], acc.at[dst_v.at[ch]], add=True)
                if with_cnt:
                    pltpu.sync_copy(ones_v, cnt.at[dst_v.at[ch]], add=True)

                def fire(b=b, nxt=ch + NB):
                    pltpu.async_copy(p_hbm.at[src_v.at[nxt]], rows[b], gsem[b])

                pl.when(j <= jhi - 2)(fire)
            return carry

        lax.fori_loop(0, jhi, step, 0)
        plsc.subcore_barrier()

        for my_cid, agg_out in ((0, agg_a), (1, agg_b)):
            @pl.when((cid == my_cid) & (sid < NS - 1))
            def _(agg_out=agg_out):
                slc = pl.ds(sid * npt, npt)
                pltpu.sync_copy(acc.at[slc], agg_out.at[slc])

            @pl.when((cid == my_cid) & (sid == NS - 1))
            def _(agg_out=agg_out):
                slc = pl.ds((NS - 1) * npt, tail_out)
                pltpu.sync_copy(acc.at[slc], agg_out.at[slc])

        if with_cnt:
            @pl.when((cid == 0) & (sid == 0))
            def _():
                pltpu.sync_copy(cnt.at[pl.ds(0, n)], cnt_a)

            @pl.when((cid == 1) & (sid == 0))
            def _():
                pltpu.sync_copy(cnt.at[pl.ds(0, n)], cnt_b)

    return pl.kernel(
        body, out_type=out_type, mesh=mesh, scratch_types=scratch,
        compiler_params=pltpu.CompilerParams(use_tc_tiling_on_sc=False),
    )


def _proj2_body(x_ref, wl_ref, wr_ref, p_ref, r_ref):
    xb = x_ref[...]
    p_ref[...] = jnp.dot(xb, wl_ref[...], preferred_element_type=jnp.float32)
    r_ref[...] = jnp.dot(xb, wr_ref[...], preferred_element_type=jnp.float32)


def _proj2(x, wl, wr, bn=2000):
    n, d = x.shape
    h = wl.shape[1]
    return pl.pallas_call(
        _proj2_body,
        grid=(n // bn,),
        in_specs=[
            pl.BlockSpec((bn, d), lambda i: (i, 0)),
            pl.BlockSpec((d, h), lambda i: (0, 0)),
            pl.BlockSpec((d, h), lambda i: (0, 0)),
        ],
        out_specs=[pl.BlockSpec((bn, h), lambda i: (i, 0))] * 2,
        out_shape=[jax.ShapeDtypeStruct((n, h), jnp.float32)] * 2,
    )(x, wl, wr)


def _comb_body(a0, a1, c0, c1, r, bl, wl, wr, p_out, r_out):
    cnt = jnp.maximum(c0[...] + c1[...], 1.0)
    hh = jnp.maximum((a0[...] + a1[...]) / cnt + bl[...] + r[...], 0.0)
    p_out[...] = jnp.dot(hh, wl[...], preferred_element_type=jnp.float32)
    r_out[...] = jnp.dot(hh, wr[...], preferred_element_type=jnp.float32)


def _comb(a0, a1, c0, c1, r, bl, wl, wr, bn=2000):
    n, h = a0.shape
    row = pl.BlockSpec((bn, h), lambda i: (i, 0))
    one = pl.BlockSpec((bn, 1), lambda i: (i, 0))
    full = pl.BlockSpec((h, h), lambda i: (0, 0))
    return pl.pallas_call(
        _comb_body,
        grid=(n // bn,),
        in_specs=[row, row, one, one, row,
                  pl.BlockSpec((1, h), lambda i: (0, 0)), full, full],
        out_specs=[row] * 2,
        out_shape=[jax.ShapeDtypeStruct((n, h), jnp.float32)] * 2,
    )(a0, a1, c0, c1, r, bl, wl, wr)


def _fin_body(a0, a1, c0, c1, r, bl, wc, bc, o_ref):
    cnt = jnp.maximum(c0[...] + c1[...], 1.0)
    hh = jnp.maximum((a0[...] + a1[...]) / cnt + bl[...] + r[...], 0.0)
    o_ref[...] = jnp.dot(hh, wc[...], preferred_element_type=jnp.float32) + bc[...]


def _fin(a0, a1, c0, c1, r, bl, wc, bc, bn=2000):
    n, h = a0.shape
    row = pl.BlockSpec((bn, h), lambda i: (i, 0))
    one = pl.BlockSpec((bn, 1), lambda i: (i, 0))
    return pl.pallas_call(
        _fin_body,
        grid=(n // bn,),
        in_specs=[row, row, one, one, row,
                  pl.BlockSpec((1, h), lambda i: (0, 0)),
                  pl.BlockSpec((h, 1), lambda i: (0, 0)),
                  pl.BlockSpec((1, 1), lambda i: (0, 0))],
        out_specs=pl.BlockSpec((bn, 1), lambda i: (i, 0)),
        out_shape=jax.ShapeDtypeStruct((n, 1), jnp.float32),
    )(a0, a1, c0, c1, r, bl, wc, bc)


def kernel(x, edge_index, Wl1, bl1, Wr1, Wl2, bl2, Wr2, Wc, bc):
    n, d = x.shape
    h = Wl1.shape[1]
    e = edge_index.shape[1]
    epw = e // NW
    c = -(-(-(-epw // K)) // NB) * NB
    pad = c * K - epw
    na, npt, _, _ = _acc_geom(n)

    src = edge_index[0]
    if pad:
        spadvals = jnp.arange(pad, dtype=jnp.int32) % n
        spadvals = jnp.broadcast_to(spadvals, (NW, pad))
        src = jnp.concatenate([src.reshape(NW, epw), spadvals], axis=1)
    src = src.reshape(NW, c, K)
    if pad:
        padvals = n + (jnp.arange(pad, dtype=jnp.int32) % PADR)
        padvals = jnp.broadcast_to(padvals, (NW, pad))
        dst = jnp.concatenate([edge_index[1].reshape(NW, epw), padvals], axis=1)
    else:
        dst = edge_index[1]
    dst = dst.reshape(NW, c, K)
    zeros2 = jnp.zeros((npt, h), jnp.float32)
    zeros1 = jnp.zeros((na,), jnp.float32)
    ones = jnp.ones((K,), jnp.float32)

    p1, r1 = _proj2(x, Wl1, Wr1)
    a0, a1, c0, c1 = _make_agg(n, h, e, True)(p1, src, dst, zeros2, zeros1, ones)
    c0 = c0.reshape(n, 1)
    c1 = c1.reshape(n, 1)
    p2, r2 = _comb(a0, a1, c0, c1, r1, bl1.reshape(1, h), Wl2, Wr2)
    b0, b1 = _make_agg(n, h, e, False)(p2, src, dst, zeros2)
    return _fin(b0, b1, c0, c1, r2, bl2.reshape(1, h), Wc, bc.reshape(1, 1))

# --- scband reference (transcript-rebuilt; emitter-appended) ---
"""Pipeline reference for scband-flood-gnn-56899726737415 (READ-ONLY COPY).

The authoritative reference and input builder live on the scoring server;
editing this copy changes nothing except your own understanding.
"""

import jax, jax.numpy as jnp
import numpy as np

N = 10000
E = 320000
D_IN = 128
H = 64


def setup_inputs(seed: int = 0) -> dict:
    key = jax.random.key(seed)
    ks = jax.random.split(key, 12)
    x = jax.random.normal(ks[0], (N, D_IN), dtype=jnp.float32)
    edge_index = jax.random.randint(ks[1], (2, E), 0, N, dtype=jnp.int32)
    s1 = 1.0 / np.sqrt(D_IN)
    s2 = 1.0 / np.sqrt(H)
    Wl1 = jax.random.uniform(ks[2], (D_IN, H), jnp.float32, -s1, s1)
    bl1 = jax.random.uniform(ks[3], (H,), jnp.float32, -s1, s1)
    Wr1 = jax.random.uniform(ks[4], (D_IN, H), jnp.float32, -s1, s1)
    Wl2 = jax.random.uniform(ks[5], (H, H), jnp.float32, -s2, s2)
    bl2 = jax.random.uniform(ks[6], (H,), jnp.float32, -s2, s2)
    Wr2 = jax.random.uniform(ks[7], (H, H), jnp.float32, -s2, s2)
    Wc = jax.random.uniform(ks[8], (H, 1), jnp.float32, -s2, s2)
    bc = jax.random.uniform(ks[9], (1,), jnp.float32, -s2, s2)
    return {"x": x, "edge_index": edge_index, "Wl1": Wl1, "bl1": bl1, "Wr1": Wr1,
            "Wl2": Wl2, "bl2": bl2, "Wr2": Wr2, "Wc": Wc, "bc": bc}


def _sage_conv(x, edge_index, Wl, bl, Wr):
    # GraphSAGE with mean aggregation: out = lin_l(mean_neigh(x)) + lin_r(x)
    src = edge_index[0]
    dst = edge_index[1]
    msgs = jnp.take(x, src, axis=0)                                  # gather
    summed = jax.ops.segment_sum(msgs, dst, num_segments=N)          # scatter-add
    cnt = jax.ops.segment_sum(jnp.ones((edge_index.shape[1],), dtype=x.dtype), dst, num_segments=N)
    mean = summed / jnp.clip(cnt, 1.0)[:, None]
    return mean @ Wl + bl + x @ Wr


def reference(x, edge_index, Wl1, bl1, Wr1, Wl2, bl2, Wr2, Wc, bc):
    h = jax.nn.relu(_sage_conv(x, edge_index, Wl1, bl1, Wr1))
    # dropout is identity in eval mode (training=False)
    h = jax.nn.relu(_sage_conv(h, edge_index, Wl2, bl2, Wr2))
    return h @ Wc + bc

if __name__ == "__main__":
    import jax
    _d = setup_inputs()
    print(jax.jit(kernel)(*tuple(_d.values())))

</pallas_src>

<mosaic_0001>
#map = affine_map<(d0, d1) -> (0, 0)>
#map1 = affine_map<(d0, d1) -> (0, 0, 0)>
#map2 = affine_map<(d0, d1) -> (0)>
module attributes {stable_mosaic.version = 14 : i64} {
  func.func @body(%arg0: i32, %arg1: i32, %arg2: memref<10000x64xf32, #tpu.memory_space<hbm>>, %arg3: memref<32x125x80xi32, #tpu.memory_space<hbm>>, %arg4: memref<32x125x80xi32, #tpu.memory_space<hbm>>, %arg5: memref<640x64xf32, #tpu.memory_space<hbm>>, %arg6: memref<10128xf32, #tpu.memory_space<hbm>>, %arg7: memref<80xf32, #tpu.memory_space<hbm>>, %arg8: memref<10000x64xf32, #tpu.memory_space<hbm>>, %arg9: memref<10000x64xf32, #tpu.memory_space<hbm>>, %arg10: memref<10000xf32, #tpu.memory_space<hbm>>, %arg11: memref<10000xf32, #tpu.memory_space<hbm>>, %arg12: memref<125x80xi32, #tpu.memory_space<vmem>>, %arg13: memref<125x80xi32, #tpu.memory_space<vmem>>, %arg14: memref<80x64xf32, #tpu.memory_space<vmem>>, %arg15: memref<80x64xf32, #tpu.memory_space<vmem>>, %arg16: memref<80x64xf32, #tpu.memory_space<vmem>>, %arg17: memref<80x64xf32, #tpu.memory_space<vmem>>, %arg18: memref<80x64xf32, #tpu.memory_space<vmem>>, %arg19: memref<80xf32, #tpu.memory_space<vmem>>, %arg20: memref<10128x64xf32, #tpu.memory_space<vmem_shared>>, %arg21: memref<10128xf32, #tpu.memory_space<vmem_shared>>, %arg22: memref<!tpu.dma_semaphore, #tpu.memory_space<semaphore_mem>>, %arg23: memref<!tpu.dma_semaphore, #tpu.memory_space<semaphore_mem>>, %arg24: memref<!tpu.dma_semaphore, #tpu.memory_space<semaphore_mem>>, %arg25: memref<!tpu.dma_semaphore, #tpu.memory_space<semaphore_mem>>, %arg26: memref<!tpu.dma_semaphore, #tpu.memory_space<semaphore_mem>>) attributes {dimension_semantics = [#tpu.dimension_semantics<core_parallel>, #tpu.dimension_semantics<subcore_parallel>], iteration_bounds = array<i64: 2, 16>, scalar_prefetch = 0 : i64, scratch_operands = 15 : i64, tpu.core_type = #tpu.core_type<sc_vector_subcore>, window_params = [{transform_indices = #map}, {transform_indices = #map1}, {transform_indices = #map1}, {transform_indices = #map}, {transform_indices = #map2}, {transform_indices = #map2}, {transform_indices = #map}, {transform_indices = #map}, {transform_indices = #map2}, {transform_indices = #map2}]} {
    %mul3A = arith.constant 2 : i32
    %mul3A_0 = arith.muli %arg1, %mul3A : i32
    %add3A = arith.addi %mul3A_0, %arg0 : i32
    "tpu.region"() ({
      %run_scoped3A = tpu.sem_alloc : memref<!tpu.dma_semaphore, #tpu.memory_space<semaphore_mem>>
      %dma_start3A_99 = arith.constant 0 : i32
      %dma_start3A_100 = arith.constant 0 : i32
      %dma_start3A_101 = tpu.memref_slice %arg3[%add3A, %dma_start3A_99, %dma_start3A_100] : memref<32x125x80xi32, #tpu.memory_space<hbm>> -> memref<1x125x80xi32, #tpu.memory_space<hbm>>
      %dma_start3A_102 = tpu.memref_squeeze %dma_start3A_101 : memref<1x125x80xi32, #tpu.memory_space<hbm>> -> memref<125x80xi32, #tpu.memory_space<hbm>>
      %dma_start3A_103 = arith.constant 0 : i32
      %dma_start3A_104 = arith.constant 0 : i32
      %dma_start3A_105 = tpu.memref_slice %arg3[%add3A, %dma_start3A_103, %dma_start3A_104] : memref<32x125x80xi32, #tpu.memory_space<hbm>> -> memref<1x125x80xi32, #tpu.memory_space<hbm>>
      %dma_start3A_106 = tpu.memref_squeeze %dma_start3A_105 : memref<1x125x80xi32, #tpu.memory_space<hbm>> -> memref<125x80xi32, #tpu.memory_space<hbm>>
      tpu.enqueue_dma source(%dma_start3A_106 : memref<125x80xi32, #tpu.memory_space<hbm>>) target(%arg12 : memref<125x80xi32, #tpu.memory_space<vmem>>) target_semaphore(%run_scoped3A : memref<!tpu.dma_semaphore, #tpu.memory_space<semaphore_mem>>)
      %dma_wait3A = arith.constant 0 : i32
      %dma_wait3A_107 = arith.constant 0 : i32
      %dma_wait3A_108 = tpu.memref_slice %arg3[%add3A, %dma_wait3A, %dma_wait3A_107] : memref<32x125x80xi32, #tpu.memory_space<hbm>> -> memref<1x125x80xi32, #tpu.memory_space<hbm>>
      %dma_wait3A_109 = tpu.memref_squeeze %dma_wait3A_108 : memref<1x125x80xi32, #tpu.memory_space<hbm>> -> memref<125x80xi32, #tpu.memory_space<hbm>>
      %dma_wait3A_110 = arith.constant 0 : i32
      %dma_wait3A_111 = arith.constant 0 : i32
      %dma_wait3A_112 = tpu.memref_slice %arg3[%add3A, %dma_wait3A_110, %dma_wait3A_111] : memref<32x125x80xi32, #tpu.memory_space<hbm>> -> memref<1x125x80xi32, #tpu.memory_space<hbm>>
      %dma_wait3A_113 = tpu.memref_squeeze %dma_wait3A_112 : memref<1x125x80xi32, #tpu.memory_space<hbm>> -> memref<125x80xi32, #tpu.memory_space<hbm>>
      tpu.wait_dma2 semaphore(%run_scoped3A : memref<!tpu.dma_semaphore, #tpu.memory_space<semaphore_mem>>) src(%dma_wait3A_113 : memref<125x80xi32, #tpu.memory_space<hbm>>) dst(%arg12 : memref<125x80xi32, #tpu.memory_space<vmem>>)
      tpu.yield
    }) : () -> ()
    "tpu.region"() ({
      %run_scoped3A = tpu.sem_alloc : memref<!tpu.dma_semaphore, #tpu.memory_space<semaphore_mem>>
      %dma_start3A_99 = arith.constant 0 : i32
      %dma_start3A_100 = arith.constant 0 : i32
      %dma_start3A_101 = tpu.memref_slice %arg4[%add3A, %dma_start3A_99, %dma_start3A_100] : memref<32x125x80xi32, #tpu.memory_space<hbm>> -> memref<1x125x80xi32, #tpu.memory_space<hbm>>
      %dma_start3A_102 = tpu.memref_squeeze %dma_start3A_101 : memref<1x125x80xi32, #tpu.memory_space<hbm>> -> memref<125x80xi32, #tpu.memory_space<hbm>>
      %dma_start3A_103 = arith.constant 0 : i32
      %dma_start3A_104 = arith.constant 0 : i32
      %dma_start3A_105 = tpu.memref_slice %arg4[%add3A, %dma_start3A_103, %dma_start3A_104] : memref<32x125x80xi32, #tpu.memory_space<hbm>> -> memref<1x125x80xi32, #tpu.memory_space<hbm>>
      %dma_start3A_106 = tpu.memref_squeeze %dma_start3A_105 : memref<1x125x80xi32, #tpu.memory_space<hbm>> -> memref<125x80xi32, #tpu.memory_space<hbm>>
      tpu.enqueue_dma source(%dma_start3A_106 : memref<125x80xi32, #tpu.memory_space<hbm>>) target(%arg13 : memref<125x80xi32, #tpu.memory_space<vmem>>) target_semaphore(%run_scoped3A : memref<!tpu.dma_semaphore, #tpu.memory_space<semaphore_mem>>)
      %dma_wait3A = arith.constant 0 : i32
      %dma_wait3A_107 = arith.constant 0 : i32
      %dma_wait3A_108 = tpu.memref_slice %arg4[%add3A, %dma_wait3A, %dma_wait3A_107] : memref<32x125x80xi32, #tpu.memory_space<hbm>> -> memref<1x125x80xi32, #tpu.memory_space<hbm>>
      %dma_wait3A_109 = tpu.memref_squeeze %dma_wait3A_108 : memref<1x125x80xi32, #tpu.memory_space<hbm>> -> memref<125x80xi32, #tpu.memory_space<hbm>>
      %dma_wait3A_110 = arith.constant 0 : i32
      %dma_wait3A_111 = arith.constant 0 : i32
      %dma_wait3A_112 = tpu.memref_slice %arg4[%add3A, %dma_wait3A_110, %dma_wait3A_111] : memref<32x125x80xi32, #tpu.memory_space<hbm>> -> memref<1x125x80xi32, #tpu.memory_space<hbm>>
      %dma_wait3A_113 = tpu.memref_squeeze %dma_wait3A_112 : memref<1x125x80xi32, #tpu.memory_space<hbm>> -> memref<125x80xi32, #tpu.memory_space<hbm>>
      tpu.wait_dma2 semaphore(%run_scoped3A : memref<!tpu.dma_semaphore, #tpu.memory_space<semaphore_mem>>) src(%dma_wait3A_113 : memref<125x80xi32, #tpu.memory_space<hbm>>) dst(%arg13 : memref<125x80xi32, #tpu.memory_space<vmem>>)
      tpu.yield
    }) : () -> ()
    %lt3A = arith.constant 15 : i32
    %lt3A_1 = arith.cmpi slt, %arg1, %lt3A : i32
    %convert_element_type3A = arith.extui %lt3A_1 : i1 to i32
    %cond3A = arith.constant 0 : i32
    %cond3A_2 = arith.cmpi ne, %convert_element_type3A, %cond3A : i32
    scf.if %cond3A_2 {
      %mul3A_99 = arith.constant 640 : i32
      %mul3A_100 = arith.muli %arg1, %mul3A_99 : i32
      "tpu.region"() ({
        %run_scoped3A = tpu.sem_alloc : memref<!tpu.dma_semaphore, #tpu.memory_space<semaphore_mem>>
        %dma_start3A_101 = arith.constant 0 : i32
        %dma_start3A_102 = tpu.memref_slice %arg20[%mul3A_100, %dma_start3A_101] : memref<10128x64xf32, #tpu.memory_space<vmem_shared>> -> memref<640x64xf32, #tpu.memory_space<vmem_shared>>
        tpu.enqueue_dma source(%arg5 : memref<640x64xf32, #tpu.memory_space<hbm>>) target(%dma_start3A_102 : memref<640x64xf32, #tpu.memory_space<vmem_shared>>) target_semaphore(%run_scoped3A : memref<!tpu.dma_semaphore, #tpu.memory_space<semaphore_mem>>)
        %dma_wait3A = arith.constant 0 : i32
        %dma_wait3A_103 = tpu.memref_slice %arg20[%mul3A_100, %dma_wait3A] : memref<10128x64xf32, #tpu.memory_space<vmem_shared>> -> memref<640x64xf32, #tpu.memory_space<vmem_shared>>
        tpu.wait_dma2 semaphore(%run_scoped3A : memref<!tpu.dma_semaphore, #tpu.memory_space<semaphore_mem>>) src(%arg5 : memref<640x64xf32, #tpu.memory_space<hbm>>) dst(%dma_wait3A_103 : memref<640x64xf32, #tpu.memory_space<vmem_shared>>)
        tpu.yield
      }) : () -> ()
    } else {
    }
    %eq3A = arith.constant 15 : i32
    %eq3A_3 = arith.cmpi eq, %arg1, %eq3A : i32
    %convert_element_type3A_4 = arith.extui %eq3A_3 : i1 to i32
    %cond3A_5 = arith.constant 0 : i32
    %cond3A_6 = arith.cmpi ne, %convert_element_type3A_4, %cond3A_5 : i32
    scf.if %cond3A_6 {
      "tpu.region"() ({
        %run_scoped3A = tpu.sem_alloc : memref<!tpu.dma_semaphore, #tpu.memory_space<semaphore_mem>>
        %dma_start3A_99 = arith.constant 9600 : i32
        %dma_start3A_100 = arith.constant 0 : i32
        %dma_start3A_101 = tpu.memref_slice %arg20[%dma_start3A_99, %dma_start3A_100] : memref<10128x64xf32, #tpu.memory_space<vmem_shared>> -> memref<528x64xf32, #tpu.memory_space<vmem_shared>>
        %dma_start3A_102 = arith.constant 0 : i32
        %dma_start3A_103 = arith.constant 0 : i32
        %dma_start3A_104 = tpu.memref_slice %arg5[%dma_start3A_102, %dma_start3A_103] : memref<640x64xf32, #tpu.memory_space<hbm>> -> memref<528x64xf32, #tpu.memory_space<hbm>>
        tpu.enqueue_dma source(%dma_start3A_104 : memref<528x64xf32, #tpu.memory_space<hbm>>) target(%dma_start3A_101 : memref<528x64xf32, #tpu.memory_space<vmem_shared>>) target_semaphore(%run_scoped3A : memref<!tpu.dma_semaphore, #tpu.memory_space<semaphore_mem>>)
        %dma_wait3A = arith.constant 9600 : i32
        %dma_wait3A_105 = arith.constant 0 : i32
        %dma_wait3A_106 = tpu.memref_slice %arg20[%dma_wait3A, %dma_wait3A_105] : memref<10128x64xf32, #tpu.memory_space<vmem_shared>> -> memref<528x64xf32, #tpu.memory_space<vmem_shared>>
        %dma_wait3A_107 = arith.constant 0 : i32
        %dma_wait3A_108 = arith.constant 0 : i32
        %dma_wait3A_109 = tpu.memref_slice %arg5[%dma_wait3A_107, %dma_wait3A_108] : memref<640x64xf32, #tpu.memory_space<hbm>> -> memref<528x64xf32, #tpu.memory_space<hbm>>
        tpu.wait_dma2 semaphore(%run_scoped3A : memref<!tpu.dma_semaphore, #tpu.memory_space<semaphore_mem>>) src(%dma_wait3A_109 : memref<528x64xf32, #tpu.memory_space<hbm>>) dst(%dma_wait3A_106 : memref<528x64xf32, #tpu.memory_space<vmem_shared>>)
        tpu.yield
      }) : () -> ()
    } else {
    }
    "tpu.region"() ({
      %run_scoped3A = tpu.sem_alloc : memref<!tpu.dma_semaphore, #tpu.memory_space<semaphore_mem>>
      tpu.enqueue_dma source(%arg7 : memref<80xf32, #tpu.memory_space<hbm>>) target(%arg19 : memref<80xf32, #tpu.memory_space<vmem>>) target_semaphore(%run_scoped3A : memref<!tpu.dma_semaphore, #tpu.memory_space<semaphore_mem>>)
      tpu.wait_dma2 semaphore(%run_scoped3A : memref<!tpu.dma_semaphore, #tpu.memory_space<semaphore_mem>>) src(%arg7 : memref<80xf32, #tpu.memory_space<hbm>>) dst(%arg19 : memref<80xf32, #tpu.memory_space<vmem>>)
      tpu.yield
    }) : () -> ()
    %eq3A_7 = arith.constant 0 : i32
    %eq3A_8 = arith.cmpi eq, %arg1, %eq3A_7 : i32
    %convert_element_type3A_9 = arith.extui %eq3A_8 : i1 to i32
    %cond3A_10 = arith.constant 0 : i32
    %cond3A_11 = arith.cmpi ne, %convert_element_type3A_9, %cond3A_10 : i32
    scf.if %cond3A_11 {
      "tpu.region"() ({
        %run_scoped3A = tpu.sem_alloc : memref<!tpu.dma_semaphore, #tpu.memory_space<semaphore_mem>>
        tpu.enqueue_dma source(%arg6 : memref<10128xf32, #tpu.memory_space<hbm>>) target(%arg21 : memref<10128xf32, #tpu.memory_space<vmem_shared>>) target_semaphore(%run_scoped3A : memref<!tpu.dma_semaphore, #tpu.memory_space<semaphore_mem>>)
        tpu.wait_dma2 semaphore(%run_scoped3A : memref<!tpu.dma_semaphore, #tpu.memory_space<semaphore_mem>>) src(%arg6 : memref<10128xf32, #tpu.memory_space<hbm>>) dst(%arg21 : memref<10128xf32, #tpu.memory_space<vmem_shared>>)
        tpu.yield
      }) : () -> ()
    } else {
    }
    %barrier3A = arith.constant 0 : index
    tpu.barrier barrier_id(%barrier3A)
    %dma_start3A = arith.constant 0 : i32
    %dma_start3A_12 = arith.constant 0 : i32
    %dma_start3A_13 = tpu.memref_slice %arg12[%dma_start3A, %dma_start3A_12] : memref<125x80xi32, #tpu.memory_space<vmem>> -> memref<1x80xi32, #tpu.memory_space<vmem>>
    %dma_start3A_14 = tpu.memref_squeeze %dma_start3A_13 : memref<1x80xi32, #tpu.memory_space<vmem>> -> memref<80xi32, #tpu.memory_space<vmem>>
    %dma_start3A_15 = arith.constant 0 : i32
    %dma_start3A_16 = arith.constant 0 : i32
    %dma_start3A_17 = tpu.memref_slice %arg2[%dma_start3A_15, %dma_start3A_16] : memref<10000x64xf32, #tpu.memory_space<hbm>> -> memref<10000x64xf32, #tpu.memory_space<hbm>>
    tpu.enqueue_indirect_dma source(%dma_start3A_17 : memref<10000x64xf32, #tpu.memory_space<hbm>>) target(%arg14 : memref<80x64xf32, #tpu.memory_space<vmem>>) offsets(%dma_start3A_14 : memref<80xi32, #tpu.memory_space<vmem>>) semaphore(%arg22 : memref<!tpu.dma_semaphore, #tpu.memory_space<semaphore_mem>>)
    %dma_start3A_18 = arith.constant 1 : i32
    %dma_start3A_19 = arith.constant 0 : i32
    %dma_start3A_20 = tpu.memref_slice %arg12[%dma_start3A_18, %dma_start3A_19] : memref<125x80xi32, #tpu.memory_space<vmem>> -> memref<1x80xi32, #tpu.memory_space<vmem>>
    %dma_start3A_21 = tpu.memref_squeeze %dma_start3A_20 : memref<1x80xi32, #tpu.memory_space<vmem>> -> memref<80xi32, #tpu.memory_space<vmem>>
    %dma_start3A_22 = arith.constant 0 : i32
    %dma_start3A_23 = arith.constant 0 : i32
    %dma_start3A_24 = tpu.memref_slice %arg2[%dma_start3A_22, %dma_start3A_23] : memref<10000x64xf32, #tpu.memory_space<hbm>> -> memref<10000x64xf32, #tpu.memory_space<hbm>>
    tpu.enqueue_indirect_dma source(%dma_start3A_24 : memref<10000x64xf32, #tpu.memory_space<hbm>>) target(%arg15 : memref<80x64xf32, #tpu.memory_space<vmem>>) offsets(%dma_start3A_21 : memref<80xi32, #tpu.memory_space<vmem>>) semaphore(%arg23 : memref<!tpu.dma_semaphore, #tpu.memory_space<semaphore_mem>>)
    %dma_start3A_25 = arith.constant 2 : i32
    %dma_start3A_26 = arith.constant 0 : i32
    %dma_start3A_27 = tpu.memref_slice %arg12[%dma_start3A_25, %dma_start3A_26] : memref<125x80xi32, #tpu.memory_space<vmem>> -> memref<1x80xi32, #tpu.memory_space<vmem>>
    %dma_start3A_28 = tpu.memref_squeeze %dma_start3A_27 : memref<1x80xi32, #tpu.memory_space<vmem>> -> memref<80xi32, #tpu.memory_space<vmem>>
    %dma_start3A_29 = arith.constant 0 : i32
    %dma_start3A_30 = arith.constant 0 : i32
    %dma_start3A_31 = tpu.memref_slice %arg2[%dma_start3A_29, %dma_start3A_30] : memref<10000x64xf32, #tpu.memory_space<hbm>> -> memref<10000x64xf32, #tpu.memory_space<hbm>>
    tpu.enqueue_indirect_dma source(%dma_start3A_31 : memref<10000x64xf32, #tpu.memory_space<hbm>>) target(%arg16 : memref<80x64xf32, #tpu.memory_space<vmem>>) offsets(%dma_start3A_28 : memref<80xi32, #tpu.memory_space<vmem>>) semaphore(%arg24 : memref<!tpu.dma_semaphore, #tpu.memory_space<semaphore_mem>>)
    %dma_start3A_32 = arith.constant 3 : i32
    %dma_start3A_33 = arith.constant 0 : i32
    %dma_start3A_34 = tpu.memref_slice %arg12[%dma_start3A_32, %dma_start3A_33] : memref<125x80xi32, #tpu.memory_space<vmem>> -> memref<1x80xi32, #tpu.memory_space<vmem>>
    %dma_start3A_35 = tpu.memref_squeeze %dma_start3A_34 : memref<1x80xi32, #tpu.memory_space<vmem>> -> memref<80xi32, #tpu.memory_space<vmem>>
    %dma_start3A_36 = arith.constant 0 : i32
    %dma_start3A_37 = arith.constant 0 : i32
    %dma_start3A_38 = tpu.memref_slice %arg2[%dma_start3A_36, %dma_start3A_37] : memref<10000x64xf32, #tpu.memory_space<hbm>> -> memref<10000x64xf32, #tpu.memory_space<hbm>>
    tpu.enqueue_indirect_dma source(%dma_start3A_38 : memref<10000x64xf32, #tpu.memory_space<hbm>>) target(%arg17 : memref<80x64xf32, #tpu.memory_space<vmem>>) offsets(%dma_start3A_35 : memref<80xi32, #tpu.memory_space<vmem>>) semaphore(%arg25 : memref<!tpu.dma_semaphore, #tpu.memory_space<semaphore_mem>>)
    %dma_start3A_39 = arith.constant 4 : i32
    %dma_start3A_40 = arith.constant 0 : i32
    %dma_start3A_41 = tpu.memref_slice %arg12[%dma_start3A_39, %dma_start3A_40] : memref<125x80xi32, #tpu.memory_space<vmem>> -> memref<1x80xi32, #tpu.memory_space<vmem>>
    %dma_start3A_42 = tpu.memref_squeeze %dma_start3A_41 : memref<1x80xi32, #tpu.memory_space<vmem>> -> memref<80xi32, #tpu.memory_space<vmem>>
    %dma_start3A_43 = arith.constant 0 : i32
    %dma_start3A_44 = arith.constant 0 : i32
    %dma_start3A_45 = tpu.memref_slice %arg2[%dma_start3A_43, %dma_start3A_44] : memref<10000x64xf32, #tpu.memory_space<hbm>> -> memref<10000x64xf32, #tpu.memory_space<hbm>>
    tpu.enqueue_indirect_dma source(%dma_start3A_45 : memref<10000x64xf32, #tpu.memory_space<hbm>>) target(%arg18 : memref<80x64xf32, #tpu.memory_space<vmem>>) offsets(%dma_start3A_42 : memref<80xi32, #tpu.memory_space<vmem>>) semaphore(%arg26 : memref<!tpu.dma_semaphore, #tpu.memory_space<semaphore_mem>>)
    %scan3A = arith.constant 0 : i32
    %scan3A_46 = arith.constant 0 : i32
    %scan3A_47 = arith.constant 25 : i32
    %scan3A_48 = arith.addi %scan3A_46, %scan3A_47 : i32
    %scan3A_49 = arith.constant 1 : i32
    scf.for %scan3A_99 = %scan3A_46 to %scan3A_48 step %scan3A_49  : i32 {
      %mul3A_100 = arith.constant 5 : i32
      %mul3A_101 = arith.muli %scan3A_99, %mul3A_100 : i32
      %add3A_102 = arith.constant 0 : i32
      %add3A_103 = arith.addi %mul3A_101, %add3A_102 : i32
      %dma_wait3A = arith.constant 0 : i32
      %dma_wait3A_104 = arith.constant 0 : i32
      %dma_wait3A_105 = tpu.memref_slice %arg12[%dma_wait3A, %dma_wait3A_104] : memref<125x80xi32, #tpu.memory_space<vmem>> -> memref<1x80xi32, #tpu.memory_space<vmem>>
      %dma_wait3A_106 = tpu.memref_squeeze %dma_wait3A_105 : memref<1x80xi32, #tpu.memory_space<vmem>> -> memref<80xi32, #tpu.memory_space<vmem>>
      %dma_wait3A_107 = arith.constant 0 : i32
      %dma_wait3A_108 = arith.constant 0 : i32
      %dma_wait3A_109 = tpu.memref_slice %arg2[%dma_wait3A_107, %dma_wait3A_108] : memref<10000x64xf32, #tpu.memory_space<hbm>> -> memref<10000x64xf32, #tpu.memory_space<hbm>>
      tpu.wait_indirect_dma semaphore(%arg22 : memref<!tpu.dma_semaphore, #tpu.memory_space<semaphore_mem>>) src(%dma_wait3A_109 : memref<10000x64xf32, #tpu.memory_space<hbm>>) dst(%arg14 : memref<80x64xf32, #tpu.memory_space<vmem>>)
      "tpu.region"() ({
        %run_scoped3A = tpu.sem_alloc : memref<!tpu.dma_semaphore, #tpu.memory_space<semaphore_mem>>
        %dma_start3A_188 = arith.constant 0 : i32
        %dma_start3A_189 = tpu.memref_slice %arg13[%add3A_103, %dma_start3A_188] : memref<125x80xi32, #tpu.memory_space<vmem>> -> memref<1x80xi32, #tpu.memory_space<vmem>>
        %dma_start3A_190 = tpu.memref_squeeze %dma_start3A_189 : memref<1x80xi32, #tpu.memory_space<vmem>> -> memref<80xi32, #tpu.memory_space<vmem>>
        %dma_start3A_191 = arith.constant 0 : i32
        %dma_start3A_192 = arith.constant 0 : i32
        %dma_start3A_193 = tpu.memref_slice %arg20[%dma_start3A_191, %dma_start3A_192] : memref<10128x64xf32, #tpu.memory_space<vmem_shared>> -> memref<10128x64xf32, #tpu.memory_space<vmem_shared>>
        tpu.enqueue_indirect_dma source(%arg14 : memref<80x64xf32, #tpu.memory_space<vmem>>) target(%dma_start3A_193 : memref<10128x64xf32, #tpu.memory_space<vmem_shared>>) offsets(%dma_start3A_190 : memref<80xi32, #tpu.memory_space<vmem>>) semaphore(%run_scoped3A : memref<!tpu.dma_semaphore, #tpu.memory_space<semaphore_mem>>) {add = true}
        %dma_wait3A_194 = arith.constant 0 : i32
        %dma_wait3A_195 = tpu.memref_slice %arg13[%add3A_103, %dma_wait3A_194] : memref<125x80xi32, #tpu.memory_space<vmem>> -> memref<1x80xi32, #tpu.memory_space<vmem>>
        %dma_wait3A_196 = tpu.memref_squeeze %dma_wait3A_195 : memref<1x80xi32, #tpu.memory_space<vmem>> -> memref<80xi32, #tpu.memory_space<vmem>>
        %dma_wait3A_197 = arith.constant 0 : i32
        %dma_wait3A_198 = arith.constant 0 : i32
        %dma_wait3A_199 = tpu.memref_slice %arg20[%dma_wait3A_197, %dma_wait3A_198] : memref<10128x64xf32, #tpu.memory_space<vmem_shared>> -> memref<10128x64xf32, #tpu.memory_space<vmem_shared>>
        tpu.wait_indirect_dma semaphore(%run_scoped3A : memref<!tpu.dma_semaphore, #tpu.memory_space<semaphore_mem>>) src(%arg14 : memref<80x64xf32, #tpu.memory_space<vmem>>) dst(%dma_wait3A_199 : memref<10128x64xf32, #tpu.memory_space<vmem_shared>>)
        tpu.yield
      }) : () -> ()
      "tpu.region"() ({
        %run_scoped3A = tpu.sem_alloc : memref<!tpu.dma_semaphore, #tpu.memory_space<semaphore_mem>>
        %dma_start3A_188 = arith.constant 0 : i32
        %dma_start3A_189 = tpu.memref_slice %arg13[%add3A_103, %dma_start3A_188] : memref<125x80xi32, #tpu.memory_space<vmem>> -> memref<1x80xi32, #tpu.memory_space<vmem>>
        %dma_start3A_190 = tpu.memref_squeeze %dma_start3A_189 : memref<1x80xi32, #tpu.memory_space<vmem>> -> memref<80xi32, #tpu.memory_space<vmem>>
        %dma_start3A_191 = arith.constant 0 : i32
        %dma_start3A_192 = tpu.memref_slice %arg21[%dma_start3A_191] : memref<10128xf32, #tpu.memory_space<vmem_shared>> -> memref<10128xf32, #tpu.memory_space<vmem_shared>>
        tpu.enqueue_indirect_dma source(%arg19 : memref<80xf32, #tpu.memory_space<vmem>>) target(%dma_start3A_192 : memref<10128xf32, #tpu.memory_space<vmem_shared>>) offsets(%dma_start3A_190 : memref<80xi32, #tpu.memory_space<vmem>>) semaphore(%run_scoped3A : memref<!tpu.dma_semaphore, #tpu.memory_space<semaphore_mem>>) {add = true}
        %dma_wait3A_193 = arith.constant 0 : i32
        %dma_wait3A_194 = tpu.memref_slice %arg13[%add3A_103, %dma_wait3A_193] : memref<125x80xi32, #tpu.memory_space<vmem>> -> memref<1x80xi32, #tpu.memory_space<vmem>>
        %dma_wait3A_195 = tpu.memref_squeeze %dma_wait3A_194 : memref<1x80xi32, #tpu.memory_space<vmem>> -> memref<80xi32, #tpu.memory_space<vmem>>
        %dma_wait3A_196 = arith.constant 0 : i32
        %dma_wait3A_197 = tpu.memref_slice %arg21[%dma_wait3A_196] : memref<10128xf32, #tpu.memory_space<vmem_shared>> -> memref<10128xf32, #tpu.memory_space<vmem_shared>>
        tpu.wait_indirect_dma semaphore(%run_scoped3A : memref<!tpu.dma_semaphore, #tpu.memory_space<semaphore_mem>>) src(%arg19 : memref<80xf32, #tpu.memory_space<vmem>>) dst(%dma_wait3A_197 : memref<10128xf32, #tpu.memory_space<vmem_shared>>)
        tpu.yield
      }) : () -> ()
      %add3A_110 = arith.constant 5 : i32
      %add3A_111 = arith.addi %add3A_103, %add3A_110 : i32
      %le3A = arith.constant 23 : i32
      %le3A_112 = arith.cmpi sle, %scan3A_99, %le3A : i32
      %convert_element_type3A_113 = arith.extui %le3A_112 : i1 to i32
      %cond3A_114 = arith.constant 0 : i32
      %cond3A_115 = arith.cmpi ne, %convert_element_type3A_113, %cond3A_114 : i32
      scf.if %cond3A_115 {
        %dma_start3A_188 = arith.constant 0 : i32
        %dma_start3A_189 = tpu.memref_slice %arg12[%add3A_111, %dma_start3A_188] : memref<125x80xi32, #tpu.memory_space<vmem>> -> memref<1x80xi32, #tpu.memory_space<vmem>>
        %dma_start3A_190 = tpu.memref_squeeze %dma_start3A_189 : memref<1x80xi32, #tpu.memory_space<vmem>> -> memref<80xi32, #tpu.memory_space<vmem>>
        %dma_start3A_191 = arith.constant 0 : i32
        %dma_start3A_192 = arith.constant 0 : i32
        %dma_start3A_193 = tpu.memref_slice %arg2[%dma_start3A_191, %dma_start3A_192] : memref<10000x64xf32, #tpu.memory_space<hbm>> -> memref<10000x64xf32, #tpu.memory_space<hbm>>
        tpu.enqueue_indirect_dma source(%dma_start3A_193 : memref<10000x64xf32, #tpu.memory_space<hbm>>) target(%arg14 : memref<80x64xf32, #tpu.memory_space<vmem>>) offsets(%dma_start3A_190 : memref<80xi32, #tpu.memory_space<vmem>>) semaphore(%arg22 : memref<!tpu.dma_semaphore, #tpu.memory_space<semaphore_mem>>)
      } else {
      }
      %mul3A_116 = arith.constant 5 : i32
      %mul3A_117 = arith.muli %scan3A_99, %mul3A_116 : i32
      %add3A_118 = arith.constant 1 : i32
      %add3A_119 = arith.addi %mul3A_117, %add3A_118 : i32
      %dma_wait3A_120 = arith.constant 0 : i32
      %dma_wait3A_121 = arith.constant 0 : i32
      %dma_wait3A_122 = tpu.memref_slice %arg12[%dma_wait3A_120, %dma_wait3A_121] : memref<125x80xi32, #tpu.memory_space<vmem>> -> memref<1x80xi32, #tpu.memory_space<vmem>>
      %dma_wait3A_123 = tpu.memref_squeeze %dma_wait3A_122 : memref<1x80xi32, #tpu.memory_space<vmem>> -> memref<80xi32, #tpu.memory_space<vmem>>
      %dma_wait3A_124 = arith.constant 0 : i32
      %dma_wait3A_125 = arith.constant 0 : i32
      %dma_wait3A_126 = tpu.memref_slice %arg2[%dma_wait3A_124, %dma_wait3A_125] : memref<10000x64xf32, #tpu.memory_space<hbm>> -> memref<10000x64xf32, #tpu.memory_space<hbm>>
      tpu.wait_indirect_dma semaphore(%arg23 : memref<!tpu.dma_semaphore, #tpu.memory_space<semaphore_mem>>) src(%dma_wait3A_126 : memref<10000x64xf32, #tpu.memory_space<hbm>>) dst(%arg15 : memref<80x64xf32, #tpu.memory_space<vmem>>)
      "tpu.region"() ({
        %run_scoped3A = tpu.sem_alloc : memref<!tpu.dma_semaphore, #tpu.memory_space<semaphore_mem>>
        %dma_start3A_188 = arith.constant 0 : i32
        %dma_start3A_189 = tpu.memref_slice %arg13[%add3A_119, %dma_start3A_188] : memref<125x80xi32, #tpu.memory_space<vmem>> -> memref<1x80xi32, #tpu.memory_space<vmem>>
        %dma_start3A_190 = tpu.memref_squeeze %dma_start3A_189 : memref<1x80xi32, #tpu.memory_space<vmem>> -> memref<80xi32, #tpu.memory_space<vmem>>
        %dma_start3A_191 = arith.constant 0 : i32
        %dma_start3A_192 = arith.constant 0 : i32
        %dma_start3A_193 = tpu.memref_slice %arg20[%dma_start3A_191, %dma_start3A_192] : memref<10128x64xf32, #tpu.memory_space<vmem_shared>> -> memref<10128x64xf32, #tpu.memory_space<vmem_shared>>
        tpu.enqueue_indirect_dma source(%arg15 : memref<80x64xf32, #tpu.memory_space<vmem>>) target(%dma_start3A_193 : memref<10128x64xf32, #tpu.memory_space<vmem_shared>>) offsets(%dma_start3A_190 : memref<80xi32, #tpu.memory_space<vmem>>) semaphore(%run_scoped3A : memref<!tpu.dma_semaphore, #tpu.memory_space<semaphore_mem>>) {add = true}
        %dma_wait3A_194 = arith.constant 0 : i32
        %dma_wait3A_195 = tpu.memref_slice %arg13[%add3A_119, %dma_wait3A_194] : memref<125x80xi32, #tpu.memory_space<vmem>> -> memref<1x80xi32, #tpu.memory_space<vmem>>
        %dma_wait3A_196 = tpu.memref_squeeze %dma_wait3A_195 : memref<1x80xi32, #tpu.memory_space<vmem>> -> memref<80xi32, #tpu.memory_space<vmem>>
        %dma_wait3A_197 = arith.constant 0 : i32
        %dma_wait3A_198 = arith.constant 0 : i32
        %dma_wait3A_199 = tpu.memref_slice %arg20[%dma_wait3A_197, %dma_wait3A_198] : memref<10128x64xf32, #tpu.memory_space<vmem_shared>> -> memref<10128x64xf32, #tpu.memory_space<vmem_shared>>
        tpu.wait_indirect_dma semaphore(%run_scoped3A : memref<!tpu.dma_semaphore, #tpu.memory_space<semaphore_mem>>) src(%arg15 : memref<80x64xf32, #tpu.memory_space<vmem>>) dst(%dma_wait3A_199 : memref<10128x64xf32, #tpu.memory_space<vmem_shared>>)
        tpu.yield
      }) : () -> ()
      "tpu.region"() ({
        %run_scoped3A = tpu.sem_alloc : memref<!tpu.dma_semaphore, #tpu.memory_space<semaphore_mem>>
        %dma_start3A_188 = arith.constant 0 : i32
        %dma_start3A_189 = tpu.memref_slice %arg13[%add3A_119, %dma_start3A_188] : memref<125x80xi32, #tpu.memory_space<vmem>> -> memref<1x80xi32, #tpu.memory_space<vmem>>
        %dma_start3A_190 = tpu.memref_squeeze %dma_start3A_189 : memref<1x80xi32, #tpu.memory_space<vmem>> -> memref<80xi32, #tpu.memory_space<vmem>>
        %dma_start3A_191 = arith.constant 0 : i32
        %dma_start3A_192 = tpu.memref_slice %arg21[%dma_start3A_191] : memref<10128xf32, #tpu.memory_space<vmem_shared>> -> memref<10128xf32, #tpu.memory_space<vmem_shared>>
        tpu.enqueue_indirect_dma source(%arg19 : memref<80xf32, #tpu.memory_space<vmem>>) target(%dma_start3A_192 : memref<10128xf32, #tpu.memory_space<vmem_shared>>) offsets(%dma_start3A_190 : memref<80xi32, #tpu.memory_space<vmem>>) semaphore(%run_scoped3A : memref<!tpu.dma_semaphore, #tpu.memory_space<semaphore_mem>>) {add = true}
        %dma_wait3A_193 = arith.constant 0 : i32
        %dma_wait3A_194 = tpu.memref_slice %arg13[%add3A_119, %dma_wait3A_193] : memref<125x80xi32, #tpu.memory_space<vmem>> -> memref<1x80xi32, #tpu.memory_space<vmem>>
        %dma_wait3A_195 = tpu.memref_squeeze %dma_wait3A_194 : memref<1x80xi32, #tpu.memory_space<vmem>> -> memref<80xi32, #tpu.memory_space<vmem>>
        %dma_wait3A_196 = arith.constant 0 : i32
        %dma_wait3A_197 = tpu.memref_slice %arg21[%dma_wait3A_196] : memref<10128xf32, #tpu.memory_space<vmem_shared>> -> memref<10128xf32, #tpu.memory_space<vmem_shared>>
        tpu.wait_indirect_dma semaphore(%run_scoped3A : memref<!tpu.dma_semaphore, #tpu.memory_space<semaphore_mem>>) src(%arg19 : memref<80xf32, #tpu.memory_space<vmem>>) dst(%dma_wait3A_197 : memref<10128xf32, #tpu.memory_space<vmem_shared>>)
        tpu.yield
      }) : () -> ()
      %add3A_127 = arith.constant 5 : i32
      %add3A_128 = arith.addi %add3A_119, %add3A_127 : i32
      %le3A_129 = arith.constant 23 : i32
      %le3A_130 = arith.cmpi sle, %scan3A_99, %le3A_129 : i32
      %convert_element_type3A_131 = arith.extui %le3A_130 : i1 to i32
      %cond3A_132 = arith.constant 0 : i32
      %cond3A_133 = arith.cmpi ne, %convert_element_type3A_131, %cond3A_132 : i32
      scf.if %cond3A_133 {
        %dma_start3A_188 = arith.constant 0 : i32
        %dma_start3A_189 = tpu.memref_slice %arg12[%add3A_128, %dma_start3A_188] : memref<125x80xi32, #tpu.memory_space<vmem>> -> memref<1x80xi32, #tpu.memory_space<vmem>>
        %dma_start3A_190 = tpu.memref_squeeze %dma_start3A_189 : memref<1x80xi32, #tpu.memory_space<vmem>> -> memref<80xi32, #tpu.memory_space<vmem>>
        %dma_start3A_191 = arith.constant 0 : i32
        %dma_start3A_192 = arith.constant 0 : i32
        %dma_start3A_193 = tpu.memref_slice %arg2[%dma_start3A_191, %dma_start3A_192] : memref<10000x64xf32, #tpu.memory_space<hbm>> -> memref<10000x64xf32, #tpu.memory_space<hbm>>
        tpu.enqueue_indirect_dma source(%dma_start3A_193 : memref<10000x64xf32, #tpu.memory_space<hbm>>) target(%arg15 : memref<80x64xf32, #tpu.memory_space<vmem>>) offsets(%dma_start3A_190 : memref<80xi32, #tpu.memory_space<vmem>>) semaphore(%arg23 : memref<!tpu.dma_semaphore, #tpu.memory_space<semaphore_mem>>)
      } else {
      }
      %mul3A_134 = arith.constant 5 : i32
      %mul3A_135 = arith.muli %scan3A_99, %mul3A_134 : i32
      %add3A_136 = arith.constant 2 : i32
      %add3A_137 = arith.addi %mul3A_135, %add3A_136 : i32
      %dma_wait3A_138 = arith.constant 0 : i32
      %dma_wait3A_139 = arith.constant 0 : i32
      %dma_wait3A_140 = tpu.memref_slice %arg12[%dma_wait3A_138, %dma_wait3A_139] : memref<125x80xi32, #tpu.memory_space<vmem>> -> memref<1x80xi32, #tpu.memory_space<vmem>>
      %dma_wait3A_141 = tpu.memref_squeeze %dma_wait3A_140 : memref<1x80xi32, #tpu.memory_space<vmem>> -> memref<80xi32, #tpu.memory_space<vmem>>
      %dma_wait3A_142 = arith.constant 0 : i32
      %dma_wait3A_143 = arith.constant 0 : i32
      %dma_wait3A_144 = tpu.memref_slice %arg2[%dma_wait3A_142, %dma_wait3A_143] : memref<10000x64xf32, #tpu.memory_space<hbm>> -> memref<10000x64xf32, #tpu.memory_space<hbm>>
      tpu.wait_indirect_dma semaphore(%arg24 : memref<!tpu.dma_semaphore, #tpu.memory_space<semaphore_mem>>) src(%dma_wait3A_144 : memref<10000x64xf32, #tpu.memory_space<hbm>>) dst(%arg16 : memref<80x64xf32, #tpu.memory_space<vmem>>)
      "tpu.region"() ({
        %run_scoped3A = tpu.sem_alloc : memref<!tpu.dma_semaphore, #tpu.memory_space<semaphore_mem>>
        %dma_start3A_188 = arith.constant 0 : i32
        %dma_start3A_189 = tpu.memref_slice %arg13[%add3A_137, %dma_start3A_188] : memref<125x80xi32, #tpu.memory_space<vmem>> -> memref<1x80xi32, #tpu.memory_space<vmem>>
        %dma_start3A_190 = tpu.memref_squeeze %dma_start3A_189 : memref<1x80xi32, #tpu.memory_space<vmem>> -> memref<80xi32, #tpu.memory_space<vmem>>
        %dma_start3A_191 = arith.constant 0 : i32
        %dma_start3A_192 = arith.constant 0 : i32
        %dma_start3A_193 = tpu.memref_slice %arg20[%dma_start3A_191, %dma_start3A_192] : memref<10128x64xf32, #tpu.memory_space<vmem_shared>> -> memref<10128x64xf32, #tpu.memory_space<vmem_shared>>
        tpu.enqueue_indirect_dma source(%arg16 : memref<80x64xf32, #tpu.memory_space<vmem>>) target(%dma_start3A_193 : memref<10128x64xf32, #tpu.memory_space<vmem_shared>>) offsets(%dma_start3A_190 : memref<80xi32, #tpu.memory_space<vmem>>) semaphore(%run_scoped3A : memref<!tpu.dma_semaphore, #tpu.memory_space<semaphore_mem>>) {add = true}
        %dma_wait3A_194 = arith.constant 0 : i32
        %dma_wait3A_195 = tpu.memref_slice %arg13[%add3A_137, %dma_wait3A_194] : memref<125x80xi32, #tpu.memory_space<vmem>> -> memref<1x80xi32, #tpu.memory_space<vmem>>
        %dma_wait3A_196 = tpu.memref_squeeze %dma_wait3A_195 : memref<1x80xi32, #tpu.memory_space<vmem>> -> memref<80xi32, #tpu.memory_space<vmem>>
        %dma_wait3A_197 = arith.constant 0 : i32
        %dma_wait3A_198 = arith.constant 0 : i32
        %dma_wait3A_199 = tpu.memref_slice %arg20[%dma_wait3A_197, %dma_wait3A_198] : memref<10128x64xf32, #tpu.memory_space<vmem_shared>> -> memref<10128x64xf32, #tpu.memory_space<vmem_shared>>
        tpu.wait_indirect_dma semaphore(%run_scoped3A : memref<!tpu.dma_semaphore, #tpu.memory_space<semaphore_mem>>) src(%arg16 : memref<80x64xf32, #tpu.memory_space<vmem>>) dst(%dma_wait3A_199 : memref<10128x64xf32, #tpu.memory_space<vmem_shared>>)
        tpu.yield
      }) : () -> ()
      "tpu.region"() ({
        %run_scoped3A = tpu.sem_alloc : memref<!tpu.dma_semaphore, #tpu.memory_space<semaphore_mem>>
        %dma_start3A_188 = arith.constant 0 : i32
        %dma_start3A_189 = tpu.memref_slice %arg13[%add3A_137, %dma_start3A_188] : memref<125x80xi32, #tpu.memory_space<vmem>> -> memref<1x80xi32, #tpu.memory_space<vmem>>
        %dma_start3A_190 = tpu.memref_squeeze %dma_start3A_189 : memref<1x80xi32, #tpu.memory_space<vmem>> -> memref<80xi32, #tpu.memory_space<vmem>>
        %dma_start3A_191 = arith.constant 0 : i32
        %dma_start3A_192 = tpu.memref_slice %arg21[%dma_start3A_191] : memref<10128xf32, #tpu.memory_space<vmem_shared>> -> memref<10128xf32, #tpu.memory_space<vmem_shared>>
        tpu.enqueue_indirect_dma source(%arg19 : memref<80xf32, #tpu.memory_space<vmem>>) target(%dma_start3A_192 : memref<10128xf32, #tpu.memory_space<vmem_shared>>) offsets(%dma_start3A_190 : memref<80xi32, #tpu.memory_space<vmem>>) semaphore(%run_scoped3A : memref<!tpu.dma_semaphore, #tpu.memory_space<semaphore_mem>>) {add = true}
        %dma_wait3A_193 = arith.constant 0 : i32
        %dma_wait3A_194 = tpu.memref_slice %arg13[%add3A_137, %dma_wait3A_193] : memref<125x80xi32, #tpu.memory_space<vmem>> -> memref<1x80xi32, #tpu.memory_space<vmem>>
        %dma_wait3A_195 = tpu.memref_squeeze %dma_wait3A_194 : memref<1x80xi32, #tpu.memory_space<vmem>> -> memref<80xi32, #tpu.memory_space<vmem>>
        %dma_wait3A_196 = arith.constant 0 : i32
        %dma_wait3A_197 = tpu.memref_slice %arg21[%dma_wait3A_196] : memref<10128xf32, #tpu.memory_space<vmem_shared>> -> memref<10128xf32, #tpu.memory_space<vmem_shared>>
        tpu.wait_indirect_dma semaphore(%run_scoped3A : memref<!tpu.dma_semaphore, #tpu.memory_space<semaphore_mem>>) src(%arg19 : memref<80xf32, #tpu.memory_space<vmem>>) dst(%dma_wait3A_197 : memref<10128xf32, #tpu.memory_space<vmem_shared>>)
        tpu.yield
      }) : () -> ()
      %add3A_145 = arith.constant 5 : i32
      %add3A_146 = arith.addi %add3A_137, %add3A_145 : i32
      %le3A_147 = arith.constant 23 : i32
      %le3A_148 = arith.cmpi sle, %scan3A_99, %le3A_147 : i32
      %convert_element_type3A_149 = arith.extui %le3A_148 : i1 to i32
      %cond3A_150 = arith.constant 0 : i32
      %cond3A_151 = arith.cmpi ne, %convert_element_type3A_149, %cond3A_150 : i32
      scf.if %cond3A_151 {
        %dma_start3A_188 = arith.constant 0 : i32
        %dma_start3A_189 = tpu.memref_slice %arg12[%add3A_146, %dma_start3A_188] : memref<125x80xi32, #tpu.memory_space<vmem>> -> memref<1x80xi32, #tpu.memory_space<vmem>>
        %dma_start3A_190 = tpu.memref_squeeze %dma_start3A_189 : memref<1x80xi32, #tpu.memory_space<vmem>> -> memref<80xi32, #tpu.memory_space<vmem>>
        %dma_start3A_191 = arith.constant 0 : i32
        %dma_start3A_192 = arith.constant 0 : i32
        %dma_start3A_193 = tpu.memref_slice %arg2[%dma_start3A_191, %dma_start3A_192] : memref<10000x64xf32, #tpu.memory_space<hbm>> -> memref<10000x64xf32, #tpu.memory_space<hbm>>
        tpu.enqueue_indirect_dma source(%dma_start3A_193 : memref<10000x64xf32, #tpu.memory_space<hbm>>) target(%arg16 : memref<80x64xf32, #tpu.memory_space<vmem>>) offsets(%dma_start3A_190 : memref<80xi32, #tpu.memory_space<vmem>>) semaphore(%arg24 : memref<!tpu.dma_semaphore, #tpu.memory_space<semaphore_mem>>)
      } else {
      }
      %mul3A_152 = arith.constant 5 : i32
      %mul3A_153 = arith.muli %scan3A_99, %mul3A_152 : i32
      %add3A_154 = arith.constant 3 : i32
      %add3A_155 = arith.addi %mul3A_153, %add3A_154 : i32
      %dma_wait3A_156 = arith.constant 0 : i32
      %dma_wait3A_157 = arith.constant 0 : i32
      %dma_wait3A_158 = tpu.memref_slice %arg12[%dma_wait3A_156, %dma_wait3A_157] : memref<125x80xi32, #tpu.memory_space<vmem>> -> memref<1x80xi32, #tpu.memory_space<vmem>>
      %dma_wait3A_159 = tpu.memref_squeeze %dma_wait3A_158 : memref<1x80xi32, #tpu.memory_space<vmem>> -> memref<80xi32, #tpu.memory_space<vmem>>
      %dma_wait3A_160 = arith.constant 0 : i32
      %dma_wait3A_161 = arith.constant 0 : i32
      %dma_wait3A_162 = tpu.memref_slice %arg2[%dma_wait3A_160, %dma_wait3A_161] : memref<10000x64xf32, #tpu.memory_space<hbm>> -> memref<10000x64xf32, #tpu.memory_space<hbm>>
      tpu.wait_indirect_dma semaphore(%arg25 : memref<!tpu.dma_semaphore, #tpu.memory_space<semaphore_mem>>) src(%dma_wait3A_162 : memref<10000x64xf32, #tpu.memory_space<hbm>>) dst(%arg17 : memref<80x64xf32, #tpu.memory_space<vmem>>)
      "tpu.region"() ({
        %run_scoped3A = tpu.sem_alloc : memref<!tpu.dma_semaphore, #tpu.memory_space<semaphore_mem>>
        %dma_start3A_188 = arith.constant 0 : i32
        %dma_start3A_189 = tpu.memref_slice %arg13[%add3A_155, %dma_start3A_188] : memref<125x80xi32, #tpu.memory_space<vmem>> -> memref<1x80xi32, #tpu.memory_space<vmem>>
        %dma_start3A_190 = tpu.memref_squeeze %dma_start3A_189 : memref<1x80xi32, #tpu.memory_space<vmem>> -> memref<80xi32, #tpu.memory_space<vmem>>
        %dma_start3A_191 = arith.constant 0 : i32
        %dma_start3A_192 = arith.constant 0 : i32
        %dma_start3A_193 = tpu.memref_slice %arg20[%dma_start3A_191, %dma_start3A_192] : memref<10128x64xf32, #tpu.memory_space<vmem_shared>> -> memref<10128x64xf32, #tpu.memory_space<vmem_shared>>
        tpu.enqueue_indirect_dma source(%arg17 : memref<80x64xf32, #tpu.memory_space<vmem>>) target(%dma_start3A_193 : memref<10128x64xf32, #tpu.memory_space<vmem_shared>>) offsets(%dma_start3A_190 : memref<80xi32, #tpu.memory_space<vmem>>) semaphore(%run_scoped3A : memref<!tpu.dma_semaphore, #tpu.memory_space<semaphore_mem>>) {add = true}
        %dma_wait3A_194 = arith.constant 0 : i32
        %dma_wait3A_195 = tpu.memref_slice %arg13[%add3A_155, %dma_wait3A_194] : memref<125x80xi32, #tpu.memory_space<vmem>> -> memref<1x80xi32, #tpu.memory_space<vmem>>
        %dma_wait3A_196 = tpu.memref_squeeze %dma_wait3A_195 : memref<1x80xi32, #tpu.memory_space<vmem>> -> memref<80xi32, #tpu.memory_space<vmem>>
        %dma_wait3A_197 = arith.constant 0 : i32
        %dma_wait3A_198 = arith.constant 0 : i32
        %dma_wait3A_199 = tpu.memref_slice %arg20[%dma_wait3A_197, %dma_wait3A_198] : memref<10128x64xf32, #tpu.memory_space<vmem_shared>> -> memref<10128x64xf32, #tpu.memory_space<vmem_shared>>
        tpu.wait_indirect_dma semaphore(%run_scoped3A : memref<!tpu.dma_semaphore, #tpu.memory_space<semaphore_mem>>) src(%arg17 : memref<80x64xf32, #tpu.memory_space<vmem>>) dst(%dma_wait3A_199 : memref<10128x64xf32, #tpu.memory_space<vmem_shared>>)
        tpu.yield
      }) : () -> ()
      "tpu.region"() ({
        %run_scoped3A = tpu.sem_alloc : memref<!tpu.dma_semaphore, #tpu.memory_space<semaphore_mem>>
        %dma_start3A_188 = arith.constant 0 : i32
        %dma_start3A_189 = tpu.memref_slice %arg13[%add3A_155, %dma_start3A_188] : memref<125x80xi32, #tpu.memory_space<vmem>> -> memref<1x80xi32, #tpu.memory_space<vmem>>
        %dma_start3A_190 = tpu.memref_squeeze %dma_start3A_189 : memref<1x80xi32, #tpu.memory_space<vmem>> -> memref<80xi32, #tpu.memory_space<vmem>>
        %dma_start3A_191 = arith.constant 0 : i32
        %dma_start3A_192 = tpu.memref_slice %arg21[%dma_start3A_191] : memref<10128xf32, #tpu.memory_space<vmem_shared>> -> memref<10128xf32, #tpu.memory_space<vmem_shared>>
        tpu.enqueue_indirect_dma source(%arg19 : memref<80xf32, #tpu.memory_space<vmem>>) target(%dma_start3A_192 : memref<10128xf32, #tpu.memory_space<vmem_shared>>) offsets(%dma_start3A_190 : memref<80xi32, #tpu.memory_space<vmem>>) semaphore(%run_scoped3A : memref<!tpu.dma_semaphore, #tpu.memory_space<semaphore_mem>>) {add = true}
        %dma_wait3A_193 = arith.constant 0 : i32
        %dma_wait3A_194 = tpu.memref_slice %arg13[%add3A_155, %dma_wait3A_193] : memref<125x80xi32, #tpu.memory_space<vmem>> -> memref<1x80xi32, #tpu.memory_space<vmem>>
        %dma_wait3A_195 = tpu.memref_squeeze %dma_wait3A_194 : memref<1x80xi32, #tpu.memory_space<vmem>> -> memref<80xi32, #tpu.memory_space<vmem>>
        %dma_wait3A_196 = arith.constant 0 : i32
        %dma_wait3A_197 = tpu.memref_slice %arg21[%dma_wait3A_196] : memref<10128xf32, #tpu.memory_space<vmem_shared>> -> memref<10128xf32, #tpu.memory_space<vmem_shared>>
        tpu.wait_indirect_dma semaphore(%run_scoped3A : memref<!tpu.dma_semaphore, #tpu.memory_space<semaphore_mem>>) src(%arg19 : memref<80xf32, #tpu.memory_space<vmem>>) dst(%dma_wait3A_197 : memref<10128xf32, #tpu.memory_space<vmem_shared>>)
        tpu.yield
      }) : () -> ()
      %add3A_163 = arith.constant 5 : i32
      %add3A_164 = arith.addi %add3A_155, %add3A_163 : i32
      %le3A_165 = arith.constant 23 : i32
      %le3A_166 = arith.cmpi sle, %scan3A_99, %le3A_165 : i32
      %convert_element_type3A_167 = arith.extui %le3A_166 : i1 to i32
      %cond3A_168 = arith.constant 0 : i32
      %cond3A_169 = arith.cmpi ne, %convert_element_type3A_167, %cond3A_168 : i32
      scf.if %cond3A_169 {
        %dma_start3A_188 = arith.constant 0 : i32
        %dma_start3A_189 = tpu.memref_slice %arg12[%add3A_164, %dma_start3A_188] : memref<125x80xi32, #tpu.memory_space<vmem>> -> memref<1x80xi32, #tpu.memory_space<vmem>>
        %dma_start3A_190 = tpu.memref_squeeze %dma_start3A_189 : memref<1x80xi32, #tpu.memory_space<vmem>> -> memref<80xi32, #tpu.memory_space<vmem>>
        %dma_start3A_191 = arith.constant 0 : i32
        %dma_start3A_192 = arith.constant 0 : i32
        %dma_start3A_193 = tpu.memref_slice %arg2[%dma_start3A_191, %dma_start3A_192] : memref<10000x64xf32, #tpu.memory_space<hbm>> -> memref<10000x64xf32, #tpu.memory_space<hbm>>
        tpu.enqueue_indirect_dma source(%dma_start3A_193 : memref<10000x64xf32, #tpu.memory_space<hbm>>) target(%arg17 : memref<80x64xf32, #tpu.memory_space<vmem>>) offsets(%dma_start3A_190 : memref<80xi32, #tpu.memory_space<vmem>>) semaphore(%arg25 : memref<!tpu.dma_semaphore, #tpu.memory_space<semaphore_mem>>)
      } else {
      }
      %mul3A_170 = arith.constant 5 : i32
      %mul3A_171 = arith.muli %scan3A_99, %mul3A_170 : i32
      %add3A_172 = arith.constant 4 : i32
      %add3A_173 = arith.addi %mul3A_171, %add3A_172 : i32
      %dma_wait3A_174 = arith.constant 0 : i32
      %dma_wait3A_175 = arith.constant 0 : i32
      %dma_wait3A_176 = tpu.memref_slice %arg12[%dma_wait3A_174, %dma_wait3A_175] : memref<125x80xi32, #tpu.memory_space<vmem>> -> memref<1x80xi32, #tpu.memory_space<vmem>>
      %dma_wait3A_177 = tpu.memref_squeeze %dma_wait3A_176 : memref<1x80xi32, #tpu.memory_space<vmem>> -> memref<80xi32, #tpu.memory_space<vmem>>
      %dma_wait3A_178 = arith.constant 0 : i32
      %dma_wait3A_179 = arith.constant 0 : i32
      %dma_wait3A_180 = tpu.memref_slice %arg2[%dma_wait3A_178, %dma_wait3A_179] : memref<10000x64xf32, #tpu.memory_space<hbm>> -> memref<10000x64xf32, #tpu.memory_space<hbm>>
      tpu.wait_indirect_dma semaphore(%arg26 : memref<!tpu.dma_semaphore, #tpu.memory_space<semaphore_mem>>) src(%dma_wait3A_180 : memref<10000x64xf32, #tpu.memory_space<hbm>>) dst(%arg18 : memref<80x64xf32, #tpu.memory_space<vmem>>)
      "tpu.region"() ({
        %run_scoped3A = tpu.sem_alloc : memref<!tpu.dma_semaphore, #tpu.memory_space<semaphore_mem>>
        %dma_start3A_188 = arith.constant 0 : i32
        %dma_start3A_189 = tpu.memref_slice %arg13[%add3A_173, %dma_start3A_188] : memref<125x80xi32, #tpu.memory_space<vmem>> -> memref<1x80xi32, #tpu.memory_space<vmem>>
        %dma_start3A_190 = tpu.memref_squeeze %dma_start3A_189 : memref<1x80xi32, #tpu.memory_space<vmem>> -> memref<80xi32, #tpu.memory_space<vmem>>
        %dma_start3A_191 = arith.constant 0 : i32
        %dma_start3A_192 = arith.constant 0 : i32
        %dma_start3A_193 = tpu.memref_slice %arg20[%dma_start3A_191, %dma_start3A_192] : memref<10128x64xf32, #tpu.memory_space<vmem_shared>> -> memref<10128x64xf32, #tpu.memory_space<vmem_shared>>
        tpu.enqueue_indirect_dma source(%arg18 : memref<80x64xf32, #tpu.memory_space<vmem>>) target(%dma_start3A_193 : memref<10128x64xf32, #tpu.memory_space<vmem_shared>>) offsets(%dma_start3A_190 : memref<80xi32, #tpu.memory_space<vmem>>) semaphore(%run_scoped3A : memref<!tpu.dma_semaphore, #tpu.memory_space<semaphore_mem>>) {add = true}
        %dma_wait3A_194 = arith.constant 0 : i32
        %dma_wait3A_195 = tpu.memref_slice %arg13[%add3A_173, %dma_wait3A_194] : memref<125x80xi32, #tpu.memory_space<vmem>> -> memref<1x80xi32, #tpu.memory_space<vmem>>
        %dma_wait3A_196 = tpu.memref_squeeze %dma_wait3A_195 : memref<1x80xi32, #tpu.memory_space<vmem>> -> memref<80xi32, #tpu.memory_space<vmem>>
        %dma_wait3A_197 = arith.constant 0 : i32
        %dma_wait3A_198 = arith.constant 0 : i32
        %dma_wait3A_199 = tpu.memref_slice %arg20[%dma_wait3A_197, %dma_wait3A_198] : memref<10128x64xf32, #tpu.memory_space<vmem_shared>> -> memref<10128x64xf32, #tpu.memory_space<vmem_shared>>
        tpu.wait_indirect_dma semaphore(%run_scoped3A : memref<!tpu.dma_semaphore, #tpu.memory_space<semaphore_mem>>) src(%arg18 : memref<80x64xf32, #tpu.memory_space<vmem>>) dst(%dma_wait3A_199 : memref<10128x64xf32, #tpu.memory_space<vmem_shared>>)
        tpu.yield
      }) : () -> ()
      "tpu.region"() ({
        %run_scoped3A = tpu.sem_alloc : memref<!tpu.dma_semaphore, #tpu.memory_space<semaphore_mem>>
        %dma_start3A_188 = arith.constant 0 : i32
        %dma_start3A_189 = tpu.memref_slice %arg13[%add3A_173, %dma_start3A_188] : memref<125x80xi32, #tpu.memory_space<vmem>> -> memref<1x80xi32, #tpu.memory_space<vmem>>
        %dma_start3A_190 = tpu.memref_squeeze %dma_start3A_189 : memref<1x80xi32, #tpu.memory_space<vmem>> -> memref<80xi32, #tpu.memory_space<vmem>>
        %dma_start3A_191 = arith.constant 0 : i32
        %dma_start3A_192 = tpu.memref_slice %arg21[%dma_start3A_191] : memref<10128xf32, #tpu.memory_space<vmem_shared>> -> memref<10128xf32, #tpu.memory_space<vmem_shared>>
        tpu.enqueue_indirect_dma source(%arg19 : memref<80xf32, #tpu.memory_space<vmem>>) target(%dma_start3A_192 : memref<10128xf32, #tpu.memory_space<vmem_shared>>) offsets(%dma_start3A_190 : memref<80xi32, #tpu.memory_space<vmem>>) semaphore(%run_scoped3A : memref<!tpu.dma_semaphore, #tpu.memory_space<semaphore_mem>>) {add = true}
        %dma_wait3A_193 = arith.constant 0 : i32
        %dma_wait3A_194 = tpu.memref_slice %arg13[%add3A_173, %dma_wait3A_193] : memref<125x80xi32, #tpu.memory_space<vmem>> -> memref<1x80xi32, #tpu.memory_space<vmem>>
        %dma_wait3A_195 = tpu.memref_squeeze %dma_wait3A_194 : memref<1x80xi32, #tpu.memory_space<vmem>> -> memref<80xi32, #tpu.memory_space<vmem>>
        %dma_wait3A_196 = arith.constant 0 : i32
        %dma_wait3A_197 = tpu.memref_slice %arg21[%dma_wait3A_196] : memref<10128xf32, #tpu.memory_space<vmem_shared>> -> memref<10128xf32, #tpu.memory_space<vmem_shared>>
        tpu.wait_indirect_dma semaphore(%run_scoped3A : memref<!tpu.dma_semaphore, #tpu.memory_space<semaphore_mem>>) src(%arg19 : memref<80xf32, #tpu.memory_space<vmem>>) dst(%dma_wait3A_197 : memref<10128xf32, #tpu.memory_space<vmem_shared>>)
        tpu.yield
      }) : () -> ()
      %add3A_181 = arith.constant 5 : i32
      %add3A_182 = arith.addi %add3A_173, %add3A_181 : i32
      %le3A_183 = arith.constant 23 : i32
      %le3A_184 = arith.cmpi sle, %scan3A_99, %le3A_183 : i32
      %convert_element_type3A_185 = arith.extui %le3A_184 : i1 to i32
      %cond3A_186 = arith.constant 0 : i32
      %cond3A_187 = arith.cmpi ne, %convert_element_type3A_185, %cond3A_186 : i32
      scf.if %cond3A_187 {
        %dma_start3A_188 = arith.constant 0 : i32
        %dma_start3A_189 = tpu.memref_slice %arg12[%add3A_182, %dma_start3A_188] : memref<125x80xi32, #tpu.memory_space<vmem>> -> memref<1x80xi32, #tpu.memory_space<vmem>>
        %dma_start3A_190 = tpu.memref_squeeze %dma_start3A_189 : memref<1x80xi32, #tpu.memory_space<vmem>> -> memref<80xi32, #tpu.memory_space<vmem>>
        %dma_start3A_191 = arith.constant 0 : i32
        %dma_start3A_192 = arith.constant 0 : i32
        %dma_start3A_193 = tpu.memref_slice %arg2[%dma_start3A_191, %dma_start3A_192] : memref<10000x64xf32, #tpu.memory_space<hbm>> -> memref<10000x64xf32, #tpu.memory_space<hbm>>
        tpu.enqueue_indirect_dma source(%dma_start3A_193 : memref<10000x64xf32, #tpu.memory_space<hbm>>) target(%arg18 : memref<80x64xf32, #tpu.memory_space<vmem>>) offsets(%dma_start3A_190 : memref<80xi32, #tpu.memory_space<vmem>>) semaphore(%arg26 : memref<!tpu.dma_semaphore, #tpu.memory_space<semaphore_mem>>)
      } else {
      }
    }
    %scan3A_50 = arith.constant 25 : i32
    %barrier3A_51 = arith.constant 0 : index
    tpu.barrier barrier_id(%barrier3A_51)
    %eq3A_52 = arith.constant 0 : i32
    %eq3A_53 = arith.cmpi eq, %arg0, %eq3A_52 : i32
    %lt3A_54 = arith.constant 15 : i32
    %lt3A_55 = arith.cmpi slt, %arg1, %lt3A_54 : i32
    %and3A = arith.andi %eq3A_53, %lt3A_55 : i1
    %convert_element_type3A_56 = arith.extui %and3A : i1 to i32
    %cond3A_57 = arith.constant 0 : i32
    %cond3A_58 = arith.cmpi ne, %convert_element_type3A_56, %cond3A_57 : i32
    scf.if %cond3A_58 {
      %mul3A_99 = arith.constant 640 : i32
      %mul3A_100 = arith.muli %arg1, %mul3A_99 : i32
      "tpu.region"() ({
        %run_scoped3A = tpu.sem_alloc : memref<!tpu.dma_semaphore, #tpu.memory_space<semaphore_mem>>
        %dma_start3A_101 = arith.constant 0 : i32
        %dma_start3A_102 = tpu.memref_slice %arg8[%mul3A_100, %dma_start3A_101] : memref<10000x64xf32, #tpu.memory_space<hbm>> -> memref<640x64xf32, #tpu.memory_space<hbm>>
        %dma_start3A_103 = arith.constant 0 : i32
        %dma_start3A_104 = tpu.memref_slice %arg20[%mul3A_100, %dma_start3A_103] : memref<10128x64xf32, #tpu.memory_space<vmem_shared>> -> memref<640x64xf32, #tpu.memory_space<vmem_shared>>
        tpu.enqueue_dma source(%dma_start3A_104 : memref<640x64xf32, #tpu.memory_space<vmem_shared>>) target(%dma_start3A_102 : memref<640x64xf32, #tpu.memory_space<hbm>>) target_semaphore(%run_scoped3A : memref<!tpu.dma_semaphore, #tpu.memory_space<semaphore_mem>>)
        %dma_wait3A = arith.constant 0 : i32
        %dma_wait3A_105 = tpu.memref_slice %arg8[%mul3A_100, %dma_wait3A] : memref<10000x64xf32, #tpu.memory_space<hbm>> -> memref<640x64xf32, #tpu.memory_space<hbm>>
        %dma_wait3A_106 = arith.constant 0 : i32
        %dma_wait3A_107 = tpu.memref_slice %arg20[%mul3A_100, %dma_wait3A_106] : memref<10128x64xf32, #tpu.memory_space<vmem_shared>> -> memref<640x64xf32, #tpu.memory_space<vmem_shared>>
        tpu.wait_dma2 semaphore(%run_scoped3A : memref<!tpu.dma_semaphore, #tpu.memory_space<semaphore_mem>>) src(%dma_wait3A_107 : memref<640x64xf32, #tpu.memory_space<vmem_shared>>) dst(%dma_wait3A_105 : memref<640x64xf32, #tpu.memory_space<hbm>>)
        tpu.yield
      }) : () -> ()
    } else {
    }
    %eq3A_59 = arith.constant 0 : i32
    %eq3A_60 = arith.cmpi eq, %arg0, %eq3A_59 : i32
    %eq3A_61 = arith.constant 15 : i32
    %eq3A_62 = arith.cmpi eq, %arg1, %eq3A_61 : i32
    %and3A_63 = arith.andi %eq3A_60, %eq3A_62 : i1
    %convert_element_type3A_64 = arith.extui %and3A_63 : i1 to i32
    %cond3A_65 = arith.constant 0 : i32
    %cond3A_66 = arith.cmpi ne, %convert_element_type3A_64, %cond3A_65 : i32
    scf.if %cond3A_66 {
      "tpu.region"() ({
        %run_scoped3A = tpu.sem_alloc : memref<!tpu.dma_semaphore, #tpu.memory_space<semaphore_mem>>
        %dma_start3A_99 = arith.constant 9600 : i32
        %dma_start3A_100 = arith.constant 0 : i32
        %dma_start3A_101 = tpu.memref_slice %arg8[%dma_start3A_99, %dma_start3A_100] : memref<10000x64xf32, #tpu.memory_space<hbm>> -> memref<400x64xf32, #tpu.memory_space<hbm>>
        %dma_start3A_102 = arith.constant 9600 : i32
        %dma_start3A_103 = arith.constant 0 : i32
        %dma_start3A_104 = tpu.memref_slice %arg20[%dma_start3A_102, %dma_start3A_103] : memref<10128x64xf32, #tpu.memory_space<vmem_shared>> -> memref<400x64xf32, #tpu.memory_space<vmem_shared>>
        tpu.enqueue_dma source(%dma_start3A_104 : memref<400x64xf32, #tpu.memory_space<vmem_shared>>) target(%dma_start3A_101 : memref<400x64xf32, #tpu.memory_space<hbm>>) target_semaphore(%run_scoped3A : memref<!tpu.dma_semaphore, #tpu.memory_space<semaphore_mem>>)
        %dma_wait3A = arith.constant 9600 : i32
        %dma_wait3A_105 = arith.constant 0 : i32
        %dma_wait3A_106 = tpu.memref_slice %arg8[%dma_wait3A, %dma_wait3A_105] : memref<10000x64xf32, #tpu.memory_space<hbm>> -> memref<400x64xf32, #tpu.memory_space<hbm>>
        %dma_wait3A_107 = arith.constant 9600 : i32
        %dma_wait3A_108 = arith.constant 0 : i32
        %dma_wait3A_109 = tpu.memref_slice %arg20[%dma_wait3A_107, %dma_wait3A_108] : memref<10128x64xf32, #tpu.memory_space<vmem_shared>> -> memref<400x64xf32, #tpu.memory_space<vmem_shared>>
        tpu.wait_dma2 semaphore(%run_scoped3A : memref<!tpu.dma_semaphore, #tpu.memory_space<semaphore_mem>>) src(%dma_wait3A_109 : memref<400x64xf32, #tpu.memory_space<vmem_shared>>) dst(%dma_wait3A_106 : memref<400x64xf32, #tpu.memory_space<hbm>>)
        tpu.yield
      }) : () -> ()
    } else {
    }
    %eq3A_67 = arith.constant 1 : i32
    %eq3A_68 = arith.cmpi eq, %arg0, %eq3A_67 : i32
    %lt3A_69 = arith.constant 15 : i32
    %lt3A_70 = arith.cmpi slt, %arg1, %lt3A_69 : i32
    %and3A_71 = arith.andi %eq3A_68, %lt3A_70 : i1
    %convert_element_type3A_72 = arith.extui %and3A_71 : i1 to i32
    %cond3A_73 = arith.constant 0 : i32
    %cond3A_74 = arith.cmpi ne, %convert_element_type3A_72, %cond3A_73 : i32
    scf.if %cond3A_74 {
      %mul3A_99 = arith.constant 640 : i32
      %mul3A_100 = arith.muli %arg1, %mul3A_99 : i32
      "tpu.region"() ({
        %run_scoped3A = tpu.sem_alloc : memref<!tpu.dma_semaphore, #tpu.memory_space<semaphore_mem>>
        %dma_start3A_101 = arith.constant 0 : i32
        %dma_start3A_102 = tpu.memref_slice %arg9[%mul3A_100, %dma_start3A_101] : memref<10000x64xf32, #tpu.memory_space<hbm>> -> memref<640x64xf32, #tpu.memory_space<hbm>>
        %dma_start3A_103 = arith.constant 0 : i32
        %dma_start3A_104 = tpu.memref_slice %arg20[%mul3A_100, %dma_start3A_103] : memref<10128x64xf32, #tpu.memory_space<vmem_shared>> -> memref<640x64xf32, #tpu.memory_space<vmem_shared>>
        tpu.enqueue_dma source(%dma_start3A_104 : memref<640x64xf32, #tpu.memory_space<vmem_shared>>) target(%dma_start3A_102 : memref<640x64xf32, #tpu.memory_space<hbm>>) target_semaphore(%run_scoped3A : memref<!tpu.dma_semaphore, #tpu.memory_space<semaphore_mem>>)
        %dma_wait3A = arith.constant 0 : i32
        %dma_wait3A_105 = tpu.memref_slice %arg9[%mul3A_100, %dma_wait3A] : memref<10000x64xf32, #tpu.memory_space<hbm>> -> memref<640x64xf32, #tpu.memory_space<hbm>>
        %dma_wait3A_106 = arith.constant 0 : i32
        %dma_wait3A_107 = tpu.memref_slice %arg20[%mul3A_100, %dma_wait3A_106] : memref<10128x64xf32, #tpu.memory_space<vmem_shared>> -> memref<640x64xf32, #tpu.memory_space<vmem_shared>>
        tpu.wait_dma2 semaphore(%run_scoped3A : memref<!tpu.dma_semaphore, #tpu.memory_space<semaphore_mem>>) src(%dma_wait3A_107 : memref<640x64xf32, #tpu.memory_space<vmem_shared>>) dst(%dma_wait3A_105 : memref<640x64xf32, #tpu.memory_space<hbm>>)
        tpu.yield
      }) : () -> ()
    } else {
    }
    %eq3A_75 = arith.constant 1 : i32
    %eq3A_76 = arith.cmpi eq, %arg0, %eq3A_75 : i32
    %eq3A_77 = arith.constant 15 : i32
    %eq3A_78 = arith.cmpi eq, %arg1, %eq3A_77 : i32
    %and3A_79 = arith.andi %eq3A_76, %eq3A_78 : i1
    %convert_element_type3A_80 = arith.extui %and3A_79 : i1 to i32
    %cond3A_81 = arith.constant 0 : i32
    %cond3A_82 = arith.cmpi ne, %convert_element_type3A_80, %cond3A_81 : i32
    scf.if %cond3A_82 {
      "tpu.region"() ({
        %run_scoped3A = tpu.sem_alloc : memref<!tpu.dma_semaphore, #tpu.memory_space<semaphore_mem>>
        %dma_start3A_99 = arith.constant 9600 : i32
        %dma_start3A_100 = arith.constant 0 : i32
        %dma_start3A_101 = tpu.memref_slice %arg9[%dma_start3A_99, %dma_start3A_100] : memref<10000x64xf32, #tpu.memory_space<hbm>> -> memref<400x64xf32, #tpu.memory_space<hbm>>
        %dma_start3A_102 = arith.constant 9600 : i32
        %dma_start3A_103 = arith.constant 0 : i32
        %dma_start3A_104 = tpu.memref_slice %arg20[%dma_start3A_102, %dma_start3A_103] : memref<10128x64xf32, #tpu.memory_space<vmem_shared>> -> memref<400x64xf32, #tpu.memory_space<vmem_shared>>
        tpu.enqueue_dma source(%dma_start3A_104 : memref<400x64xf32, #tpu.memory_space<vmem_shared>>) target(%dma_start3A_101 : memref<400x64xf32, #tpu.memory_space<hbm>>) target_semaphore(%run_scoped3A : memref<!tpu.dma_semaphore, #tpu.memory_space<semaphore_mem>>)
        %dma_wait3A = arith.constant 9600 : i32
        %dma_wait3A_105 = arith.constant 0 : i32
        %dma_wait3A_106 = tpu.memref_slice %arg9[%dma_wait3A, %dma_wait3A_105] : memref<10000x64xf32, #tpu.memory_space<hbm>> -> memref<400x64xf32, #tpu.memory_space<hbm>>
        %dma_wait3A_107 = arith.constant 9600 : i32
        %dma_wait3A_108 = arith.constant 0 : i32
        %dma_wait3A_109 = tpu.memref_slice %arg20[%dma_wait3A_107, %dma_wait3A_108] : memref<10128x64xf32, #tpu.memory_space<vmem_shared>> -> memref<400x64xf32, #tpu.memory_space<vmem_shared>>
        tpu.wait_dma2 semaphore(%run_scoped3A : memref<!tpu.dma_semaphore, #tpu.memory_space<semaphore_mem>>) src(%dma_wait3A_109 : memref<400x64xf32, #tpu.memory_space<vmem_shared>>) dst(%dma_wait3A_106 : memref<400x64xf32, #tpu.memory_space<hbm>>)
        tpu.yield
      }) : () -> ()
    } else {
    }
    %eq3A_83 = arith.constant 0 : i32
    %eq3A_84 = arith.cmpi eq, %arg0, %eq3A_83 : i32
    %eq3A_85 = arith.constant 0 : i32
    %eq3A_86 = arith.cmpi eq, %arg1, %eq3A_85 : i32
    %and3A_87 = arith.andi %eq3A_84, %eq3A_86 : i1
    %convert_element_type3A_88 = arith.extui %and3A_87 : i1 to i32
    %cond3A_89 = arith.constant 0 : i32
    %cond3A_90 = arith.cmpi ne, %convert_element_type3A_88, %cond3A_89 : i32
    scf.if %cond3A_90 {
      "tpu.region"() ({
        %run_scoped3A = tpu.sem_alloc : memref<!tpu.dma_semaphore, #tpu.memory_space<semaphore_mem>>
        %dma_start3A_99 = arith.constant 0 : i32
        %dma_start3A_100 = tpu.memref_slice %arg21[%dma_start3A_99] : memref<10128xf32, #tpu.memory_space<vmem_shared>> -> memref<10000xf32, #tpu.memory_space<vmem_shared>>
        tpu.enqueue_dma source(%dma_start3A_100 : memref<10000xf32, #tpu.memory_space<vmem_shared>>) target(%arg10 : memref<10000xf32, #tpu.memory_space<hbm>>) target_semaphore(%run_scoped3A : memref<!tpu.dma_semaphore, #tpu.memory_space<semaphore_mem>>)
        %dma_wait3A = arith.constant 0 : i32
        %dma_wait3A_101 = tpu.memref_slice %arg21[%dma_wait3A] : memref<10128xf32, #tpu.memory_space<vmem_shared>> -> memref<10000xf32, #tpu.memory_space<vmem_shared>>
        tpu.wait_dma2 semaphore(%run_scoped3A : memref<!tpu.dma_semaphore, #tpu.memory_space<semaphore_mem>>) src(%dma_wait3A_101 : memref<10000xf32, #tpu.memory_space<vmem_shared>>) dst(%arg10 : memref<10000xf32, #tpu.memory_space<hbm>>)
        tpu.yield
      }) : () -> ()
    } else {
    }
    %eq3A_91 = arith.constant 1 : i32
    %eq3A_92 = arith.cmpi eq, %arg0, %eq3A_91 : i32
    %eq3A_93 = arith.constant 0 : i32
    %eq3A_94 = arith.cmpi eq, %arg1, %eq3A_93 : i32
    %and3A_95 = arith.andi %eq3A_92, %eq3A_94 : i1
    %convert_element_type3A_96 = arith.extui %and3A_95 : i1 to i32
    %cond3A_97 = arith.constant 0 : i32
    %cond3A_98 = arith.cmpi ne, %convert_element_type3A_96, %cond3A_97 : i32
    scf.if %cond3A_98 {
      "tpu.region"() ({
        %run_scoped3A = tpu.sem_alloc : memref<!tpu.dma_semaphore, #tpu.memory_space<semaphore_mem>>
        %dma_start3A_99 = arith.constant 0 : i32
        %dma_start3A_100 = tpu.memref_slice %arg21[%dma_start3A_99] : memref<10128xf32, #tpu.memory_space<vmem_shared>> -> memref<10000xf32, #tpu.memory_space<vmem_shared>>
        tpu.enqueue_dma source(%dma_start3A_100 : memref<10000xf32, #tpu.memory_space<vmem_shared>>) target(%arg11 : memref<10000xf32, #tpu.memory_space<hbm>>) target_semaphore(%run_scoped3A : memref<!tpu.dma_semaphore, #tpu.memory_space<semaphore_mem>>)
        %dma_wait3A = arith.constant 0 : i32
        %dma_wait3A_101 = tpu.memref_slice %arg21[%dma_wait3A] : memref<10128xf32, #tpu.memory_space<vmem_shared>> -> memref<10000xf32, #tpu.memory_space<vmem_shared>>
        tpu.wait_dma2 semaphore(%run_scoped3A : memref<!tpu.dma_semaphore, #tpu.memory_space<semaphore_mem>>) src(%dma_wait3A_101 : memref<10000xf32, #tpu.memory_space<vmem_shared>>) dst(%arg11 : memref<10000xf32, #tpu.memory_space<hbm>>)
        tpu.yield
      }) : () -> ()
    } else {
    }
    return
  }
}

#map = affine_map<(d0, d1) -> (0, 0)>
#map1 = affine_map<(d0, d1) -> (0, 0, 0)>
module attributes {stable_mosaic.version = 14 : i64} {
  func.func @body(%arg0: i32, %arg1: i32, %arg2: memref<10000x64xf32, #tpu.memory_space<hbm>>, %arg3: memref<32x125x80xi32, #tpu.memory_space<hbm>>, %arg4: memref<32x125x80xi32, #tpu.memory_space<hbm>>, %arg5: memref<640x64xf32, #tpu.memory_space<hbm>>, %arg6: memref<10000x64xf32, #tpu.memory_space<hbm>>, %arg7: memref<10000x64xf32, #tpu.memory_space<hbm>>, %arg8: memref<125x80xi32, #tpu.memory_space<vmem>>, %arg9: memref<125x80xi32, #tpu.memory_space<vmem>>, %arg10: memref<80x64xf32, #tpu.memory_space<vmem>>, %arg11: memref<80x64xf32, #tpu.memory_space<vmem>>, %arg12: memref<80x64xf32, #tpu.memory_space<vmem>>, %arg13: memref<80x64xf32, #tpu.memory_space<vmem>>, %arg14: memref<80x64xf32, #tpu.memory_space<vmem>>, %arg15: memref<10128x64xf32, #tpu.memory_space<vmem_shared>>, %arg16: memref<!tpu.dma_semaphore, #tpu.memory_space<semaphore_mem>>, %arg17: memref<!tpu.dma_semaphore, #tpu.memory_space<semaphore_mem>>, %arg18: memref<!tpu.dma_semaphore, #tpu.memory_space<semaphore_mem>>, %arg19: memref<!tpu.dma_semaphore, #tpu.memory_space<semaphore_mem>>, %arg20: memref<!tpu.dma_semaphore, #tpu.memory_space<semaphore_mem>>) attributes {dimension_semantics = [#tpu.dimension_semantics<core_parallel>, #tpu.dimension_semantics<subcore_parallel>], iteration_bounds = array<i64: 2, 16>, scalar_prefetch = 0 : i64, scratch_operands = 13 : i64, tpu.core_type = #tpu.core_type<sc_vector_subcore>, window_params = [{transform_indices = #map}, {transform_indices = #map1}, {transform_indices = #map1}, {transform_indices = #map}, {transform_indices = #map}, {transform_indices = #map}]} {
    %mul3A = arith.constant 2 : i32
    %mul3A_0 = arith.muli %arg1, %mul3A : i32
    %add3A = arith.addi %mul3A_0, %arg0 : i32
    "tpu.region"() ({
      %run_scoped3A = tpu.sem_alloc : memref<!tpu.dma_semaphore, #tpu.memory_space<semaphore_mem>>
      %dma_start3A_78 = arith.constant 0 : i32
      %dma_start3A_79 = arith.constant 0 : i32
      %dma_start3A_80 = tpu.memref_slice %arg3[%add3A, %dma_start3A_78, %dma_start3A_79] : memref<32x125x80xi32, #tpu.memory_space<hbm>> -> memref<1x125x80xi32, #tpu.memory_space<hbm>>
      %dma_start3A_81 = tpu.memref_squeeze %dma_start3A_80 : memref<1x125x80xi32, #tpu.memory_space<hbm>> -> memref<125x80xi32, #tpu.memory_space<hbm>>
      %dma_start3A_82 = arith.constant 0 : i32
      %dma_start3A_83 = arith.constant 0 : i32
      %dma_start3A_84 = tpu.memref_slice %arg3[%add3A, %dma_start3A_82, %dma_start3A_83] : memref<32x125x80xi32, #tpu.memory_space<hbm>> -> memref<1x125x80xi32, #tpu.memory_space<hbm>>
      %dma_start3A_85 = tpu.memref_squeeze %dma_start3A_84 : memref<1x125x80xi32, #tpu.memory_space<hbm>> -> memref<125x80xi32, #tpu.memory_space<hbm>>
      tpu.enqueue_dma source(%dma_start3A_85 : memref<125x80xi32, #tpu.memory_space<hbm>>) target(%arg8 : memref<125x80xi32, #tpu.memory_space<vmem>>) target_semaphore(%run_scoped3A : memref<!tpu.dma_semaphore, #tpu.memory_space<semaphore_mem>>)
      %dma_wait3A = arith.constant 0 : i32
      %dma_wait3A_86 = arith.constant 0 : i32
      %dma_wait3A_87 = tpu.memref_slice %arg3[%add3A, %dma_wait3A, %dma_wait3A_86] : memref<32x125x80xi32, #tpu.memory_space<hbm>> -> memref<1x125x80xi32, #tpu.memory_space<hbm>>
      %dma_wait3A_88 = tpu.memref_squeeze %dma_wait3A_87 : memref<1x125x80xi32, #tpu.memory_space<hbm>> -> memref<125x80xi32, #tpu.memory_space<hbm>>
      %dma_wait3A_89 = arith.constant 0 : i32
      %dma_wait3A_90 = arith.constant 0 : i32
      %dma_wait3A_91 = tpu.memref_slice %arg3[%add3A, %dma_wait3A_89, %dma_wait3A_90] : memref<32x125x80xi32, #tpu.memory_space<hbm>> -> memref<1x125x80xi32, #tpu.memory_space<hbm>>
      %dma_wait3A_92 = tpu.memref_squeeze %dma_wait3A_91 : memref<1x125x80xi32, #tpu.memory_space<hbm>> -> memref<125x80xi32, #tpu.memory_space<hbm>>
      tpu.wait_dma2 semaphore(%run_scoped3A : memref<!tpu.dma_semaphore, #tpu.memory_space<semaphore_mem>>) src(%dma_wait3A_92 : memref<125x80xi32, #tpu.memory_space<hbm>>) dst(%arg8 : memref<125x80xi32, #tpu.memory_space<vmem>>)
      tpu.yield
    }) : () -> ()
    "tpu.region"() ({
      %run_scoped3A = tpu.sem_alloc : memref<!tpu.dma_semaphore, #tpu.memory_space<semaphore_mem>>
      %dma_start3A_78 = arith.constant 0 : i32
      %dma_start3A_79 = arith.constant 0 : i32
      %dma_start3A_80 = tpu.memref_slice %arg4[%add3A, %dma_start3A_78, %dma_start3A_79] : memref<32x125x80xi32, #tpu.memory_space<hbm>> -> memref<1x125x80xi32, #tpu.memory_space<hbm>>
      %dma_start3A_81 = tpu.memref_squeeze %dma_start3A_80 : memref<1x125x80xi32, #tpu.memory_space<hbm>> -> memref<125x80xi32, #tpu.memory_space<hbm>>
      %dma_start3A_82 = arith.constant 0 : i32
      %dma_start3A_83 = arith.constant 0 : i32
      %dma_start3A_84 = tpu.memref_slice %arg4[%add3A, %dma_start3A_82, %dma_start3A_83] : memref<32x125x80xi32, #tpu.memory_space<hbm>> -> memref<1x125x80xi32, #tpu.memory_space<hbm>>
      %dma_start3A_85 = tpu.memref_squeeze %dma_start3A_84 : memref<1x125x80xi32, #tpu.memory_space<hbm>> -> memref<125x80xi32, #tpu.memory_space<hbm>>
      tpu.enqueue_dma source(%dma_start3A_85 : memref<125x80xi32, #tpu.memory_space<hbm>>) target(%arg9 : memref<125x80xi32, #tpu.memory_space<vmem>>) target_semaphore(%run_scoped3A : memref<!tpu.dma_semaphore, #tpu.memory_space<semaphore_mem>>)
      %dma_wait3A = arith.constant 0 : i32
      %dma_wait3A_86 = arith.constant 0 : i32
      %dma_wait3A_87 = tpu.memref_slice %arg4[%add3A, %dma_wait3A, %dma_wait3A_86] : memref<32x125x80xi32, #tpu.memory_space<hbm>> -> memref<1x125x80xi32, #tpu.memory_space<hbm>>
      %dma_wait3A_88 = tpu.memref_squeeze %dma_wait3A_87 : memref<1x125x80xi32, #tpu.memory_space<hbm>> -> memref<125x80xi32, #tpu.memory_space<hbm>>
      %dma_wait3A_89 = arith.constant 0 : i32
      %dma_wait3A_90 = arith.constant 0 : i32
      %dma_wait3A_91 = tpu.memref_slice %arg4[%add3A, %dma_wait3A_89, %dma_wait3A_90] : memref<32x125x80xi32, #tpu.memory_space<hbm>> -> memref<1x125x80xi32, #tpu.memory_space<hbm>>
      %dma_wait3A_92 = tpu.memref_squeeze %dma_wait3A_91 : memref<1x125x80xi32, #tpu.memory_space<hbm>> -> memref<125x80xi32, #tpu.memory_space<hbm>>
      tpu.wait_dma2 semaphore(%run_scoped3A : memref<!tpu.dma_semaphore, #tpu.memory_space<semaphore_mem>>) src(%dma_wait3A_92 : memref<125x80xi32, #tpu.memory_space<hbm>>) dst(%arg9 : memref<125x80xi32, #tpu.memory_space<vmem>>)
      tpu.yield
    }) : () -> ()
    %lt3A = arith.constant 15 : i32
    %lt3A_1 = arith.cmpi slt, %arg1, %lt3A : i32
    %convert_element_type3A = arith.extui %lt3A_1 : i1 to i32
    %cond3A = arith.constant 0 : i32
    %cond3A_2 = arith.cmpi ne, %convert_element_type3A, %cond3A : i32
    scf.if %cond3A_2 {
      %mul3A_78 = arith.constant 640 : i32
      %mul3A_79 = arith.muli %arg1, %mul3A_78 : i32
      "tpu.region"() ({
        %run_scoped3A = tpu.sem_alloc : memref<!tpu.dma_semaphore, #tpu.memory_space<semaphore_mem>>
        %dma_start3A_80 = arith.constant 0 : i32
        %dma_start3A_81 = tpu.memref_slice %arg15[%mul3A_79, %dma_start3A_80] : memref<10128x64xf32, #tpu.memory_space<vmem_shared>> -> memref<640x64xf32, #tpu.memory_space<vmem_shared>>
        tpu.enqueue_dma source(%arg5 : memref<640x64xf32, #tpu.memory_space<hbm>>) target(%dma_start3A_81 : memref<640x64xf32, #tpu.memory_space<vmem_shared>>) target_semaphore(%run_scoped3A : memref<!tpu.dma_semaphore, #tpu.memory_space<semaphore_mem>>)
        %dma_wait3A = arith.constant 0 : i32
        %dma_wait3A_82 = tpu.memref_slice %arg15[%mul3A_79, %dma_wait3A] : memref<10128x64xf32, #tpu.memory_space<vmem_shared>> -> memref<640x64xf32, #tpu.memory_space<vmem_shared>>
        tpu.wait_dma2 semaphore(%run_scoped3A : memref<!tpu.dma_semaphore, #tpu.memory_space<semaphore_mem>>) src(%arg5 : memref<640x64xf32, #tpu.memory_space<hbm>>) dst(%dma_wait3A_82 : memref<640x64xf32, #tpu.memory_space<vmem_shared>>)
        tpu.yield
      }) : () -> ()
    } else {
    }
    %eq3A = arith.constant 15 : i32
    %eq3A_3 = arith.cmpi eq, %arg1, %eq3A : i32
    %convert_element_type3A_4 = arith.extui %eq3A_3 : i1 to i32
    %cond3A_5 = arith.constant 0 : i32
    %cond3A_6 = arith.cmpi ne, %convert_element_type3A_4, %cond3A_5 : i32
    scf.if %cond3A_6 {
      "tpu.region"() ({
        %run_scoped3A = tpu.sem_alloc : memref<!tpu.dma_semaphore, #tpu.memory_space<semaphore_mem>>
        %dma_start3A_78 = arith.constant 9600 : i32
        %dma_start3A_79 = arith.constant 0 : i32
        %dma_start3A_80 = tpu.memref_slice %arg15[%dma_start3A_78, %dma_start3A_79] : memref<10128x64xf32, #tpu.memory_space<vmem_shared>> -> memref<528x64xf32, #tpu.memory_space<vmem_shared>>
        %dma_start3A_81 = arith.constant 0 : i32
        %dma_start3A_82 = arith.constant 0 : i32
        %dma_start3A_83 = tpu.memref_slice %arg5[%dma_start3A_81, %dma_start3A_82] : memref<640x64xf32, #tpu.memory_space<hbm>> -> memref<528x64xf32, #tpu.memory_space<hbm>>
        tpu.enqueue_dma source(%dma_start3A_83 : memref<528x64xf32, #tpu.memory_space<hbm>>) target(%dma_start3A_80 : memref<528x64xf32, #tpu.memory_space<vmem_shared>>) target_semaphore(%run_scoped3A : memref<!tpu.dma_semaphore, #tpu.memory_space<semaphore_mem>>)
        %dma_wait3A = arith.constant 9600 : i32
        %dma_wait3A_84 = arith.constant 0 : i32
        %dma_wait3A_85 = tpu.memref_slice %arg15[%dma_wait3A, %dma_wait3A_84] : memref<10128x64xf32, #tpu.memory_space<vmem_shared>> -> memref<528x64xf32, #tpu.memory_space<vmem_shared>>
        %dma_wait3A_86 = arith.constant 0 : i32
        %dma_wait3A_87 = arith.constant 0 : i32
        %dma_wait3A_88 = tpu.memref_slice %arg5[%dma_wait3A_86, %dma_wait3A_87] : memref<640x64xf32, #tpu.memory_space<hbm>> -> memref<528x64xf32, #tpu.memory_space<hbm>>
        tpu.wait_dma2 semaphore(%run_scoped3A : memref<!tpu.dma_semaphore, #tpu.memory_space<semaphore_mem>>) src(%dma_wait3A_88 : memref<528x64xf32, #tpu.memory_space<hbm>>) dst(%dma_wait3A_85 : memref<528x64xf32, #tpu.memory_space<vmem_shared>>)
        tpu.yield
      }) : () -> ()
    } else {
    }
    %barrier3A = arith.constant 0 : index
    tpu.barrier barrier_id(%barrier3A)
    %dma_start3A = arith.constant 0 : i32
    %dma_start3A_7 = arith.constant 0 : i32
    %dma_start3A_8 = tpu.memref_slice %arg8[%dma_start3A, %dma_start3A_7] : memref<125x80xi32, #tpu.memory_space<vmem>> -> memref<1x80xi32, #tpu.memory_space<vmem>>
    %dma_start3A_9 = tpu.memref_squeeze %dma_start3A_8 : memref<1x80xi32, #tpu.memory_space<vmem>> -> memref<80xi32, #tpu.memory_space<vmem>>
    %dma_start3A_10 = arith.constant 0 : i32
    %dma_start3A_11 = arith.constant 0 : i32
    %dma_start3A_12 = tpu.memref_slice %arg2[%dma_start3A_10, %dma_start3A_11] : memref<10000x64xf32, #tpu.memory_space<hbm>> -> memref<10000x64xf32, #tpu.memory_space<hbm>>
    tpu.enqueue_indirect_dma source(%dma_start3A_12 : memref<10000x64xf32, #tpu.memory_space<hbm>>) target(%arg10 : memref<80x64xf32, #tpu.memory_space<vmem>>) offsets(%dma_start3A_9 : memref<80xi32, #tpu.memory_space<vmem>>) semaphore(%arg16 : memref<!tpu.dma_semaphore, #tpu.memory_space<semaphore_mem>>)
    %dma_start3A_13 = arith.constant 1 : i32
    %dma_start3A_14 = arith.constant 0 : i32
    %dma_start3A_15 = tpu.memref_slice %arg8[%dma_start3A_13, %dma_start3A_14] : memref<125x80xi32, #tpu.memory_space<vmem>> -> memref<1x80xi32, #tpu.memory_space<vmem>>
    %dma_start3A_16 = tpu.memref_squeeze %dma_start3A_15 : memref<1x80xi32, #tpu.memory_space<vmem>> -> memref<80xi32, #tpu.memory_space<vmem>>
    %dma_start3A_17 = arith.constant 0 : i32
    %dma_start3A_18 = arith.constant 0 : i32
    %dma_start3A_19 = tpu.memref_slice %arg2[%dma_start3A_17, %dma_start3A_18] : memref<10000x64xf32, #tpu.memory_space<hbm>> -> memref<10000x64xf32, #tpu.memory_space<hbm>>
    tpu.enqueue_indirect_dma source(%dma_start3A_19 : memref<10000x64xf32, #tpu.memory_space<hbm>>) target(%arg11 : memref<80x64xf32, #tpu.memory_space<vmem>>) offsets(%dma_start3A_16 : memref<80xi32, #tpu.memory_space<vmem>>) semaphore(%arg17 : memref<!tpu.dma_semaphore, #tpu.memory_space<semaphore_mem>>)
    %dma_start3A_20 = arith.constant 2 : i32
    %dma_start3A_21 = arith.constant 0 : i32
    %dma_start3A_22 = tpu.memref_slice %arg8[%dma_start3A_20, %dma_start3A_21] : memref<125x80xi32, #tpu.memory_space<vmem>> -> memref<1x80xi32, #tpu.memory_space<vmem>>
    %dma_start3A_23 = tpu.memref_squeeze %dma_start3A_22 : memref<1x80xi32, #tpu.memory_space<vmem>> -> memref<80xi32, #tpu.memory_space<vmem>>
    %dma_start3A_24 = arith.constant 0 : i32
    %dma_start3A_25 = arith.constant 0 : i32
    %dma_start3A_26 = tpu.memref_slice %arg2[%dma_start3A_24, %dma_start3A_25] : memref<10000x64xf32, #tpu.memory_space<hbm>> -> memref<10000x64xf32, #tpu.memory_space<hbm>>
    tpu.enqueue_indirect_dma source(%dma_start3A_26 : memref<10000x64xf32, #tpu.memory_space<hbm>>) target(%arg12 : memref<80x64xf32, #tpu.memory_space<vmem>>) offsets(%dma_start3A_23 : memref<80xi32, #tpu.memory_space<vmem>>) semaphore(%arg18 : memref<!tpu.dma_semaphore, #tpu.memory_space<semaphore_mem>>)
    %dma_start3A_27 = arith.constant 3 : i32
    %dma_start3A_28 = arith.constant 0 : i32
    %dma_start3A_29 = tpu.memref_slice %arg8[%dma_start3A_27, %dma_start3A_28] : memref<125x80xi32, #tpu.memory_space<vmem>> -> memref<1x80xi32, #tpu.memory_space<vmem>>
    %dma_start3A_30 = tpu.memref_squeeze %dma_start3A_29 : memref<1x80xi32, #tpu.memory_space<vmem>> -> memref<80xi32, #tpu.memory_space<vmem>>
    %dma_start3A_31 = arith.constant 0 : i32
    %dma_start3A_32 = arith.constant 0 : i32
    %dma_start3A_33 = tpu.memref_slice %arg2[%dma_start3A_31, %dma_start3A_32] : memref<10000x64xf32, #tpu.memory_space<hbm>> -> memref<10000x64xf32, #tpu.memory_space<hbm>>
    tpu.enqueue_indirect_dma source(%dma_start3A_33 : memref<10000x64xf32, #tpu.memory_space<hbm>>) target(%arg13 : memref<80x64xf32, #tpu.memory_space<vmem>>) offsets(%dma_start3A_30 : memref<80xi32, #tpu.memory_space<vmem>>) semaphore(%arg19 : memref<!tpu.dma_semaphore, #tpu.memory_space<semaphore_mem>>)
    %dma_start3A_34 = arith.constant 4 : i32
    %dma_start3A_35 = arith.constant 0 : i32
    %dma_start3A_36 = tpu.memref_slice %arg8[%dma_start3A_34, %dma_start3A_35] : memref<125x80xi32, #tpu.memory_space<vmem>> -> memref<1x80xi32, #tpu.memory_space<vmem>>
    %dma_start3A_37 = tpu.memref_squeeze %dma_start3A_36 : memref<1x80xi32, #tpu.memory_space<vmem>> -> memref<80xi32, #tpu.memory_space<vmem>>
    %dma_start3A_38 = arith.constant 0 : i32
    %dma_start3A_39 = arith.constant 0 : i32
    %dma_start3A_40 = tpu.memref_slice %arg2[%dma_start3A_38, %dma_start3A_39] : memref<10000x64xf32, #tpu.memory_space<hbm>> -> memref<10000x64xf32, #tpu.memory_space<hbm>>
    tpu.enqueue_indirect_dma source(%dma_start3A_40 : memref<10000x64xf32, #tpu.memory_space<hbm>>) target(%arg14 : memref<80x64xf32, #tpu.memory_space<vmem>>) offsets(%dma_start3A_37 : memref<80xi32, #tpu.memory_space<vmem>>) semaphore(%arg20 : memref<!tpu.dma_semaphore, #tpu.memory_space<semaphore_mem>>)
    %scan3A = arith.constant 0 : i32
    %scan3A_41 = arith.constant 0 : i32
    %scan3A_42 = arith.constant 25 : i32
    %scan3A_43 = arith.addi %scan3A_41, %scan3A_42 : i32
    %scan3A_44 = arith.constant 1 : i32
    scf.for %scan3A_78 = %scan3A_41 to %scan3A_43 step %scan3A_44  : i32 {
      %mul3A_79 = arith.constant 5 : i32
      %mul3A_80 = arith.muli %scan3A_78, %mul3A_79 : i32
      %add3A_81 = arith.constant 0 : i32
      %add3A_82 = arith.addi %mul3A_80, %add3A_81 : i32
      %dma_wait3A = arith.constant 0 : i32
      %dma_wait3A_83 = arith.constant 0 : i32
      %dma_wait3A_84 = tpu.memref_slice %arg8[%dma_wait3A, %dma_wait3A_83] : memref<125x80xi32, #tpu.memory_space<vmem>> -> memref<1x80xi32, #tpu.memory_space<vmem>>
      %dma_wait3A_85 = tpu.memref_squeeze %dma_wait3A_84 : memref<1x80xi32, #tpu.memory_space<vmem>> -> memref<80xi32, #tpu.memory_space<vmem>>
      %dma_wait3A_86 = arith.constant 0 : i32
      %dma_wait3A_87 = arith.constant 0 : i32
      %dma_wait3A_88 = tpu.memref_slice %arg2[%dma_wait3A_86, %dma_wait3A_87] : memref<10000x64xf32, #tpu.memory_space<hbm>> -> memref<10000x64xf32, #tpu.memory_space<hbm>>
      tpu.wait_indirect_dma semaphore(%arg16 : memref<!tpu.dma_semaphore, #tpu.memory_space<semaphore_mem>>) src(%dma_wait3A_88 : memref<10000x64xf32, #tpu.memory_space<hbm>>) dst(%arg10 : memref<80x64xf32, #tpu.memory_space<vmem>>)
      "tpu.region"() ({
        %run_scoped3A = tpu.sem_alloc : memref<!tpu.dma_semaphore, #tpu.memory_space<semaphore_mem>>
        %dma_start3A_167 = arith.constant 0 : i32
        %dma_start3A_168 = tpu.memref_slice %arg9[%add3A_82, %dma_start3A_167] : memref<125x80xi32, #tpu.memory_space<vmem>> -> memref<1x80xi32, #tpu.memory_space<vmem>>
        %dma_start3A_169 = tpu.memref_squeeze %dma_start3A_168 : memref<1x80xi32, #tpu.memory_space<vmem>> -> memref<80xi32, #tpu.memory_space<vmem>>
        %dma_start3A_170 = arith.constant 0 : i32
        %dma_start3A_171 = arith.constant 0 : i32
        %dma_start3A_172 = tpu.memref_slice %arg15[%dma_start3A_170, %dma_start3A_171] : memref<10128x64xf32, #tpu.memory_space<vmem_shared>> -> memref<10128x64xf32, #tpu.memory_space<vmem_shared>>
        tpu.enqueue_indirect_dma source(%arg10 : memref<80x64xf32, #tpu.memory_space<vmem>>) target(%dma_start3A_172 : memref<10128x64xf32, #tpu.memory_space<vmem_shared>>) offsets(%dma_start3A_169 : memref<80xi32, #tpu.memory_space<vmem>>) semaphore(%run_scoped3A : memref<!tpu.dma_semaphore, #tpu.memory_space<semaphore_mem>>) {add = true}
        %dma_wait3A_173 = arith.constant 0 : i32
        %dma_wait3A_174 = tpu.memref_slice %arg9[%add3A_82, %dma_wait3A_173] : memref<125x80xi32, #tpu.memory_space<vmem>> -> memref<1x80xi32, #tpu.memory_space<vmem>>
        %dma_wait3A_175 = tpu.memref_squeeze %dma_wait3A_174 : memref<1x80xi32, #tpu.memory_space<vmem>> -> memref<80xi32, #tpu.memory_space<vmem>>
        %dma_wait3A_176 = arith.constant 0 : i32
        %dma_wait3A_177 = arith.constant 0 : i32
        %dma_wait3A_178 = tpu.memref_slice %arg15[%dma_wait3A_176, %dma_wait3A_177] : memref<10128x64xf32, #tpu.memory_space<vmem_shared>> -> memref<10128x64xf32, #tpu.memory_space<vmem_shared>>
        tpu.wait_indirect_dma semaphore(%run_scoped3A : memref<!tpu.dma_semaphore, #tpu.memory_space<semaphore_mem>>) src(%arg10 : memref<80x64xf32, #tpu.memory_space<vmem>>) dst(%dma_wait3A_178 : memref<10128x64xf32, #tpu.memory_space<vmem_shared>>)
        tpu.yield
      }) : () -> ()
      %add3A_89 = arith.constant 5 : i32
      %add3A_90 = arith.addi %add3A_82, %add3A_89 : i32
      %le3A = arith.constant 23 : i32
      %le3A_91 = arith.cmpi sle, %scan3A_78, %le3A : i32
      %convert_element_type3A_92 = arith.extui %le3A_91 : i1 to i32
      %cond3A_93 = arith.constant 0 : i32
      %cond3A_94 = arith.cmpi ne, %convert_element_type3A_92, %cond3A_93 : i32
      scf.if %cond3A_94 {
        %dma_start3A_167 = arith.constant 0 : i32
        %dma_start3A_168 = tpu.memref_slice %arg8[%add3A_90, %dma_start3A_167] : memref<125x80xi32, #tpu.memory_space<vmem>> -> memref<1x80xi32, #tpu.memory_space<vmem>>
        %dma_start3A_169 = tpu.memref_squeeze %dma_start3A_168 : memref<1x80xi32, #tpu.memory_space<vmem>> -> memref<80xi32, #tpu.memory_space<vmem>>
        %dma_start3A_170 = arith.constant 0 : i32
        %dma_start3A_171 = arith.constant 0 : i32
        %dma_start3A_172 = tpu.memref_slice %arg2[%dma_start3A_170, %dma_start3A_171] : memref<10000x64xf32, #tpu.memory_space<hbm>> -> memref<10000x64xf32, #tpu.memory_space<hbm>>
        tpu.enqueue_indirect_dma source(%dma_start3A_172 : memref<10000x64xf32, #tpu.memory_space<hbm>>) target(%arg10 : memref<80x64xf32, #tpu.memory_space<vmem>>) offsets(%dma_start3A_169 : memref<80xi32, #tpu.memory_space<vmem>>) semaphore(%arg16 : memref<!tpu.dma_semaphore, #tpu.memory_space<semaphore_mem>>)
      } else {
      }
      %mul3A_95 = arith.constant 5 : i32
      %mul3A_96 = arith.muli %scan3A_78, %mul3A_95 : i32
      %add3A_97 = arith.constant 1 : i32
      %add3A_98 = arith.addi %mul3A_96, %add3A_97 : i32
      %dma_wait3A_99 = arith.constant 0 : i32
      %dma_wait3A_100 = arith.constant 0 : i32
      %dma_wait3A_101 = tpu.memref_slice %arg8[%dma_wait3A_99, %dma_wait3A_100] : memref<125x80xi32, #tpu.memory_space<vmem>> -> memref<1x80xi32, #tpu.memory_space<vmem>>
      %dma_wait3A_102 = tpu.memref_squeeze %dma_wait3A_101 : memref<1x80xi32, #tpu.memory_space<vmem>> -> memref<80xi32, #tpu.memory_space<vmem>>
      %dma_wait3A_103 = arith.constant 0 : i32
      %dma_wait3A_104 = arith.constant 0 : i32
      %dma_wait3A_105 = tpu.memref_slice %arg2[%dma_wait3A_103, %dma_wait3A_104] : memref<10000x64xf32, #tpu.memory_space<hbm>> -> memref<10000x64xf32, #tpu.memory_space<hbm>>
      tpu.wait_indirect_dma semaphore(%arg17 : memref<!tpu.dma_semaphore, #tpu.memory_space<semaphore_mem>>) src(%dma_wait3A_105 : memref<10000x64xf32, #tpu.memory_space<hbm>>) dst(%arg11 : memref<80x64xf32, #tpu.memory_space<vmem>>)
      "tpu.region"() ({
        %run_scoped3A = tpu.sem_alloc : memref<!tpu.dma_semaphore, #tpu.memory_space<semaphore_mem>>
        %dma_start3A_167 = arith.constant 0 : i32
        %dma_start3A_168 = tpu.memref_slice %arg9[%add3A_98, %dma_start3A_167] : memref<125x80xi32, #tpu.memory_space<vmem>> -> memref<1x80xi32, #tpu.memory_space<vmem>>
        %dma_start3A_169 = tpu.memref_squeeze %dma_start3A_168 : memref<1x80xi32, #tpu.memory_space<vmem>> -> memref<80xi32, #tpu.memory_space<vmem>>
        %dma_start3A_170 = arith.constant 0 : i32
        %dma_start3A_171 = arith.constant 0 : i32
        %dma_start3A_172 = tpu.memref_slice %arg15[%dma_start3A_170, %dma_start3A_171] : memref<10128x64xf32, #tpu.memory_space<vmem_shared>> -> memref<10128x64xf32, #tpu.memory_space<vmem_shared>>
        tpu.enqueue_indirect_dma source(%arg11 : memref<80x64xf32, #tpu.memory_space<vmem>>) target(%dma_start3A_172 : memref<10128x64xf32, #tpu.memory_space<vmem_shared>>) offsets(%dma_start3A_169 : memref<80xi32, #tpu.memory_space<vmem>>) semaphore(%run_scoped3A : memref<!tpu.dma_semaphore, #tpu.memory_space<semaphore_mem>>) {add = true}
        %dma_wait3A_173 = arith.constant 0 : i32
        %dma_wait3A_174 = tpu.memref_slice %arg9[%add3A_98, %dma_wait3A_173] : memref<125x80xi32, #tpu.memory_space<vmem>> -> memref<1x80xi32, #tpu.memory_space<vmem>>
        %dma_wait3A_175 = tpu.memref_squeeze %dma_wait3A_174 : memref<1x80xi32, #tpu.memory_space<vmem>> -> memref<80xi32, #tpu.memory_space<vmem>>
        %dma_wait3A_176 = arith.constant 0 : i32
        %dma_wait3A_177 = arith.constant 0 : i32
        %dma_wait3A_178 = tpu.memref_slice %arg15[%dma_wait3A_176, %dma_wait3A_177] : memref<10128x64xf32, #tpu.memory_space<vmem_shared>> -> memref<10128x64xf32, #tpu.memory_space<vmem_shared>>
        tpu.wait_indirect_dma semaphore(%run_scoped3A : memref<!tpu.dma_semaphore, #tpu.memory_space<semaphore_mem>>) src(%arg11 : memref<80x64xf32, #tpu.memory_space<vmem>>) dst(%dma_wait3A_178 : memref<10128x64xf32, #tpu.memory_space<vmem_shared>>)
        tpu.yield
      }) : () -> ()
      %add3A_106 = arith.constant 5 : i32
      %add3A_107 = arith.addi %add3A_98, %add3A_106 : i32
      %le3A_108 = arith.constant 23 : i32
      %le3A_109 = arith.cmpi sle, %scan3A_78, %le3A_108 : i32
      %convert_element_type3A_110 = arith.extui %le3A_109 : i1 to i32
      %cond3A_111 = arith.constant 0 : i32
      %cond3A_112 = arith.cmpi ne, %convert_element_type3A_110, %cond3A_111 : i32
      scf.if %cond3A_112 {
        %dma_start3A_167 = arith.constant 0 : i32
        %dma_start3A_168 = tpu.memref_slice %arg8[%add3A_107, %dma_start3A_167] : memref<125x80xi32, #tpu.memory_space<vmem>> -> memref<1x80xi32, #tpu.memory_space<vmem>>
        %dma_start3A_169 = tpu.memref_squeeze %dma_start3A_168 : memref<1x80xi32, #tpu.memory_space<vmem>> -> memref<80xi32, #tpu.memory_space<vmem>>
        %dma_start3A_170 = arith.constant 0 : i32
        %dma_start3A_171 = arith.constant 0 : i32
        %dma_start3A_172 = tpu.memref_slice %arg2[%dma_start3A_170, %dma_start3A_171] : memref<10000x64xf32, #tpu.memory_space<hbm>> -> memref<10000x64xf32, #tpu.memory_space<hbm>>
        tpu.enqueue_indirect_dma source(%dma_start3A_172 : memref<10000x64xf32, #tpu.memory_space<hbm>>) target(%arg11 : memref<80x64xf32, #tpu.memory_space<vmem>>) offsets(%dma_start3A_169 : memref<80xi32, #tpu.memory_space<vmem>>) semaphore(%arg17 : memref<!tpu.dma_semaphore, #tpu.memory_space<semaphore_mem>>)
      } else {
      }
      %mul3A_113 = arith.constant 5 : i32
      %mul3A_114 = arith.muli %scan3A_78, %mul3A_113 : i32
      %add3A_115 = arith.constant 2 : i32
      %add3A_116 = arith.addi %mul3A_114, %add3A_115 : i32
      %dma_wait3A_117 = arith.constant 0 : i32
      %dma_wait3A_118 = arith.constant 0 : i32
      %dma_wait3A_119 = tpu.memref_slice %arg8[%dma_wait3A_117, %dma_wait3A_118] : memref<125x80xi32, #tpu.memory_space<vmem>> -> memref<1x80xi32, #tpu.memory_space<vmem>>
      %dma_wait3A_120 = tpu.memref_squeeze %dma_wait3A_119 : memref<1x80xi32, #tpu.memory_space<vmem>> -> memref<80xi32, #tpu.memory_space<vmem>>
      %dma_wait3A_121 = arith.constant 0 : i32
      %dma_wait3A_122 = arith.constant 0 : i32
      %dma_wait3A_123 = tpu.memref_slice %arg2[%dma_wait3A_121, %dma_wait3A_122] : memref<10000x64xf32, #tpu.memory_space<hbm>> -> memref<10000x64xf32, #tpu.memory_space<hbm>>
      tpu.wait_indirect_dma semaphore(%arg18 : memref<!tpu.dma_semaphore, #tpu.memory_space<semaphore_mem>>) src(%dma_wait3A_123 : memref<10000x64xf32, #tpu.memory_space<hbm>>) dst(%arg12 : memref<80x64xf32, #tpu.memory_space<vmem>>)
      "tpu.region"() ({
        %run_scoped3A = tpu.sem_alloc : memref<!tpu.dma_semaphore, #tpu.memory_space<semaphore_mem>>
        %dma_start3A_167 = arith.constant 0 : i32
        %dma_start3A_168 = tpu.memref_slice %arg9[%add3A_116, %dma_start3A_167] : memref<125x80xi32, #tpu.memory_space<vmem>> -> memref<1x80xi32, #tpu.memory_space<vmem>>
        %dma_start3A_169 = tpu.memref_squeeze %dma_start3A_168 : memref<1x80xi32, #tpu.memory_space<vmem>> -> memref<80xi32, #tpu.memory_space<vmem>>
        %dma_start3A_170 = arith.constant 0 : i32
        %dma_start3A_171 = arith.constant 0 : i32
        %dma_start3A_172 = tpu.memref_slice %arg15[%dma_start3A_170, %dma_start3A_171] : memref<10128x64xf32, #tpu.memory_space<vmem_shared>> -> memref<10128x64xf32, #tpu.memory_space<vmem_shared>>
        tpu.enqueue_indirect_dma source(%arg12 : memref<80x64xf32, #tpu.memory_space<vmem>>) target(%dma_start3A_172 : memref<10128x64xf32, #tpu.memory_space<vmem_shared>>) offsets(%dma_start3A_169 : memref<80xi32, #tpu.memory_space<vmem>>) semaphore(%run_scoped3A : memref<!tpu.dma_semaphore, #tpu.memory_space<semaphore_mem>>) {add = true}
        %dma_wait3A_173 = arith.constant 0 : i32
        %dma_wait3A_174 = tpu.memref_slice %arg9[%add3A_116, %dma_wait3A_173] : memref<125x80xi32, #tpu.memory_space<vmem>> -> memref<1x80xi32, #tpu.memory_space<vmem>>
        %dma_wait3A_175 = tpu.memref_squeeze %dma_wait3A_174 : memref<1x80xi32, #tpu.memory_space<vmem>> -> memref<80xi32, #tpu.memory_space<vmem>>
        %dma_wait3A_176 = arith.constant 0 : i32
        %dma_wait3A_177 = arith.constant 0 : i32
        %dma_wait3A_178 = tpu.memref_slice %arg15[%dma_wait3A_176, %dma_wait3A_177] : memref<10128x64xf32, #tpu.memory_space<vmem_shared>> -> memref<10128x64xf32, #tpu.memory_space<vmem_shared>>
        tpu.wait_indirect_dma semaphore(%run_scoped3A : memref<!tpu.dma_semaphore, #tpu.memory_space<semaphore_mem>>) src(%arg12 : memref<80x64xf32, #tpu.memory_space<vmem>>) dst(%dma_wait3A_178 : memref<10128x64xf32, #tpu.memory_space<vmem_shared>>)
        tpu.yield
      }) : () -> ()
      %add3A_124 = arith.constant 5 : i32
      %add3A_125 = arith.addi %add3A_116, %add3A_124 : i32
      %le3A_126 = arith.constant 23 : i32
      %le3A_127 = arith.cmpi sle, %scan3A_78, %le3A_126 : i32
      %convert_element_type3A_128 = arith.extui %le3A_127 : i1 to i32
      %cond3A_129 = arith.constant 0 : i32
      %cond3A_130 = arith.cmpi ne, %convert_element_type3A_128, %cond3A_129 : i32
      scf.if %cond3A_130 {
        %dma_start3A_167 = arith.constant 0 : i32
        %dma_start3A_168 = tpu.memref_slice %arg8[%add3A_125, %dma_start3A_167] : memref<125x80xi32, #tpu.memory_space<vmem>> -> memref<1x80xi32, #tpu.memory_space<vmem>>
        %dma_start3A_169 = tpu.memref_squeeze %dma_start3A_168 : memref<1x80xi32, #tpu.memory_space<vmem>> -> memref<80xi32, #tpu.memory_space<vmem>>
        %dma_start3A_170 = arith.constant 0 : i32
        %dma_start3A_171 = arith.constant 0 : i32
        %dma_start3A_172 = tpu.memref_slice %arg2[%dma_start3A_170, %dma_start3A_171] : memref<10000x64xf32, #tpu.memory_space<hbm>> -> memref<10000x64xf32, #tpu.memory_space<hbm>>
        tpu.enqueue_indirect_dma source(%dma_start3A_172 : memref<10000x64xf32, #tpu.memory_space<hbm>>) target(%arg12 : memref<80x64xf32, #tpu.memory_space<vmem>>) offsets(%dma_start3A_169 : memref<80xi32, #tpu.memory_space<vmem>>) semaphore(%arg18 : memref<!tpu.dma_semaphore, #tpu.memory_space<semaphore_mem>>)
      } else {
      }
      %mul3A_131 = arith.constant 5 : i32
      %mul3A_132 = arith.muli %scan3A_78, %mul3A_131 : i32
      %add3A_133 = arith.constant 3 : i32
      %add3A_134 = arith.addi %mul3A_132, %add3A_133 : i32
      %dma_wait3A_135 = arith.constant 0 : i32
      %dma_wait3A_136 = arith.constant 0 : i32
      %dma_wait3A_137 = tpu.memref_slice %arg8[%dma_wait3A_135, %dma_wait3A_136] : memref<125x80xi32, #tpu.memory_space<vmem>> -> memref<1x80xi32, #tpu.memory_space<vmem>>
      %dma_wait3A_138 = tpu.memref_squeeze %dma_wait3A_137 : memref<1x80xi32, #tpu.memory_space<vmem>> -> memref<80xi32, #tpu.memory_space<vmem>>
      %dma_wait3A_139 = arith.constant 0 : i32
      %dma_wait3A_140 = arith.constant 0 : i32
      %dma_wait3A_141 = tpu.memref_slice %arg2[%dma_wait3A_139, %dma_wait3A_140] : memref<10000x64xf32, #tpu.memory_space<hbm>> -> memref<10000x64xf32, #tpu.memory_space<hbm>>
      tpu.wait_indirect_dma semaphore(%arg19 : memref<!tpu.dma_semaphore, #tpu.memory_space<semaphore_mem>>) src(%dma_wait3A_141 : memref<10000x64xf32, #tpu.memory_space<hbm>>) dst(%arg13 : memref<80x64xf32, #tpu.memory_space<vmem>>)
      "tpu.region"() ({
        %run_scoped3A = tpu.sem_alloc : memref<!tpu.dma_semaphore, #tpu.memory_space<semaphore_mem>>
        %dma_start3A_167 = arith.constant 0 : i32
        %dma_start3A_168 = tpu.memref_slice %arg9[%add3A_134, %dma_start3A_167] : memref<125x80xi32, #tpu.memory_space<vmem>> -> memref<1x80xi32, #tpu.memory_space<vmem>>
        %dma_start3A_169 = tpu.memref_squeeze %dma_start3A_168 : memref<1x80xi32, #tpu.memory_space<vmem>> -> memref<80xi32, #tpu.memory_space<vmem>>
        %dma_start3A_170 = arith.constant 0 : i32
        %dma_start3A_171 = arith.constant 0 : i32
        %dma_start3A_172 = tpu.memref_slice %arg15[%dma_start3A_170, %dma_start3A_171] : memref<10128x64xf32, #tpu.memory_space<vmem_shared>> -> memref<10128x64xf32, #tpu.memory_space<vmem_shared>>
        tpu.enqueue_indirect_dma source(%arg13 : memref<80x64xf32, #tpu.memory_space<vmem>>) target(%dma_start3A_172 : memref<10128x64xf32, #tpu.memory_space<vmem_shared>>) offsets(%dma_start3A_169 : memref<80xi32, #tpu.memory_space<vmem>>) semaphore(%run_scoped3A : memref<!tpu.dma_semaphore, #tpu.memory_space<semaphore_mem>>) {add = true}
        %dma_wait3A_173 = arith.constant 0 : i32
        %dma_wait3A_174 = tpu.memref_slice %arg9[%add3A_134, %dma_wait3A_173] : memref<125x80xi32, #tpu.memory_space<vmem>> -> memref<1x80xi32, #tpu.memory_space<vmem>>
        %dma_wait3A_175 = tpu.memref_squeeze %dma_wait3A_174 : memref<1x80xi32, #tpu.memory_space<vmem>> -> memref<80xi32, #tpu.memory_space<vmem>>
        %dma_wait3A_176 = arith.constant 0 : i32
        %dma_wait3A_177 = arith.constant 0 : i32
        %dma_wait3A_178 = tpu.memref_slice %arg15[%dma_wait3A_176, %dma_wait3A_177] : memref<10128x64xf32, #tpu.memory_space<vmem_shared>> -> memref<10128x64xf32, #tpu.memory_space<vmem_shared>>
        tpu.wait_indirect_dma semaphore(%run_scoped3A : memref<!tpu.dma_semaphore, #tpu.memory_space<semaphore_mem>>) src(%arg13 : memref<80x64xf32, #tpu.memory_space<vmem>>) dst(%dma_wait3A_178 : memref<10128x64xf32, #tpu.memory_space<vmem_shared>>)
        tpu.yield
      }) : () -> ()
      %add3A_142 = arith.constant 5 : i32
      %add3A_143 = arith.addi %add3A_134, %add3A_142 : i32
      %le3A_144 = arith.constant 23 : i32
      %le3A_145 = arith.cmpi sle, %scan3A_78, %le3A_144 : i32
      %convert_element_type3A_146 = arith.extui %le3A_145 : i1 to i32
      %cond3A_147 = arith.constant 0 : i32
      %cond3A_148 = arith.cmpi ne, %convert_element_type3A_146, %cond3A_147 : i32
      scf.if %cond3A_148 {
        %dma_start3A_167 = arith.constant 0 : i32
        %dma_start3A_168 = tpu.memref_slice %arg8[%add3A_143, %dma_start3A_167] : memref<125x80xi32, #tpu.memory_space<vmem>> -> memref<1x80xi32, #tpu.memory_space<vmem>>
        %dma_start3A_169 = tpu.memref_squeeze %dma_start3A_168 : memref<1x80xi32, #tpu.memory_space<vmem>> -> memref<80xi32, #tpu.memory_space<vmem>>
        %dma_start3A_170 = arith.constant 0 : i32
        %dma_start3A_171 = arith.constant 0 : i32
        %dma_start3A_172 = tpu.memref_slice %arg2[%dma_start3A_170, %dma_start3A_171] : memref<10000x64xf32, #tpu.memory_space<hbm>> -> memref<10000x64xf32, #tpu.memory_space<hbm>>
        tpu.enqueue_indirect_dma source(%dma_start3A_172 : memref<10000x64xf32, #tpu.memory_space<hbm>>) target(%arg13 : memref<80x64xf32, #tpu.memory_space<vmem>>) offsets(%dma_start3A_169 : memref<80xi32, #tpu.memory_space<vmem>>) semaphore(%arg19 : memref<!tpu.dma_semaphore, #tpu.memory_space<semaphore_mem>>)
      } else {
      }
      %mul3A_149 = arith.constant 5 : i32
      %mul3A_150 = arith.muli %scan3A_78, %mul3A_149 : i32
      %add3A_151 = arith.constant 4 : i32
      %add3A_152 = arith.addi %mul3A_150, %add3A_151 : i32
      %dma_wait3A_153 = arith.constant 0 : i32
      %dma_wait3A_154 = arith.constant 0 : i32
      %dma_wait3A_155 = tpu.memref_slice %arg8[%dma_wait3A_153, %dma_wait3A_154] : memref<125x80xi32, #tpu.memory_space<vmem>> -> memref<1x80xi32, #tpu.memory_space<vmem>>
      %dma_wait3A_156 = tpu.memref_squeeze %dma_wait3A_155 : memref<1x80xi32, #tpu.memory_space<vmem>> -> memref<80xi32, #tpu.memory_space<vmem>>
      %dma_wait3A_157 = arith.constant 0 : i32
      %dma_wait3A_158 = arith.constant 0 : i32
      %dma_wait3A_159 = tpu.memref_slice %arg2[%dma_wait3A_157, %dma_wait3A_158] : memref<10000x64xf32, #tpu.memory_space<hbm>> -> memref<10000x64xf32, #tpu.memory_space<hbm>>
      tpu.wait_indirect_dma semaphore(%arg20 : memref<!tpu.dma_semaphore, #tpu.memory_space<semaphore_mem>>) src(%dma_wait3A_159 : memref<10000x64xf32, #tpu.memory_space<hbm>>) dst(%arg14 : memref<80x64xf32, #tpu.memory_space<vmem>>)
      "tpu.region"() ({
        %run_scoped3A = tpu.sem_alloc : memref<!tpu.dma_semaphore, #tpu.memory_space<semaphore_mem>>
        %dma_start3A_167 = arith.constant 0 : i32
        %dma_start3A_168 = tpu.memref_slice %arg9[%add3A_152, %dma_start3A_167] : memref<125x80xi32, #tpu.memory_space<vmem>> -> memref<1x80xi32, #tpu.memory_space<vmem>>
        %dma_start3A_169 = tpu.memref_squeeze %dma_start3A_168 : memref<1x80xi32, #tpu.memory_space<vmem>> -> memref<80xi32, #tpu.memory_space<vmem>>
        %dma_start3A_170 = arith.constant 0 : i32
        %dma_start3A_171 = arith.constant 0 : i32
        %dma_start3A_172 = tpu.memref_slice %arg15[%dma_start3A_170, %dma_start3A_171] : memref<10128x64xf32, #tpu.memory_space<vmem_shared>> -> memref<10128x64xf32, #tpu.memory_space<vmem_shared>>
        tpu.enqueue_indirect_dma source(%arg14 : memref<80x64xf32, #tpu.memory_space<vmem>>) target(%dma_start3A_172 : memref<10128x64xf32, #tpu.memory_space<vmem_shared>>) offsets(%dma_start3A_169 : memref<80xi32, #tpu.memory_space<vmem>>) semaphore(%run_scoped3A : memref<!tpu.dma_semaphore, #tpu.memory_space<semaphore_mem>>) {add = true}
        %dma_wait3A_173 = arith.constant 0 : i32
        %dma_wait3A_174 = tpu.memref_slice %arg9[%add3A_152, %dma_wait3A_173] : memref<125x80xi32, #tpu.memory_space<vmem>> -> memref<1x80xi32, #tpu.memory_space<vmem>>
        %dma_wait3A_175 = tpu.memref_squeeze %dma_wait3A_174 : memref<1x80xi32, #tpu.memory_space<vmem>> -> memref<80xi32, #tpu.memory_space<vmem>>
        %dma_wait3A_176 = arith.constant 0 : i32
        %dma_wait3A_177 = arith.constant 0 : i32
        %dma_wait3A_178 = tpu.memref_slice %arg15[%dma_wait3A_176, %dma_wait3A_177] : memref<10128x64xf32, #tpu.memory_space<vmem_shared>> -> memref<10128x64xf32, #tpu.memory_space<vmem_shared>>
        tpu.wait_indirect_dma semaphore(%run_scoped3A : memref<!tpu.dma_semaphore, #tpu.memory_space<semaphore_mem>>) src(%arg14 : memref<80x64xf32, #tpu.memory_space<vmem>>) dst(%dma_wait3A_178 : memref<10128x64xf32, #tpu.memory_space<vmem_shared>>)
        tpu.yield
      }) : () -> ()
      %add3A_160 = arith.constant 5 : i32
      %add3A_161 = arith.addi %add3A_152, %add3A_160 : i32
      %le3A_162 = arith.constant 23 : i32
      %le3A_163 = arith.cmpi sle, %scan3A_78, %le3A_162 : i32
      %convert_element_type3A_164 = arith.extui %le3A_163 : i1 to i32
      %cond3A_165 = arith.constant 0 : i32
      %cond3A_166 = arith.cmpi ne, %convert_element_type3A_164, %cond3A_165 : i32
      scf.if %cond3A_166 {
        %dma_start3A_167 = arith.constant 0 : i32
        %dma_start3A_168 = tpu.memref_slice %arg8[%add3A_161, %dma_start3A_167] : memref<125x80xi32, #tpu.memory_space<vmem>> -> memref<1x80xi32, #tpu.memory_space<vmem>>
        %dma_start3A_169 = tpu.memref_squeeze %dma_start3A_168 : memref<1x80xi32, #tpu.memory_space<vmem>> -> memref<80xi32, #tpu.memory_space<vmem>>
        %dma_start3A_170 = arith.constant 0 : i32
        %dma_start3A_171 = arith.constant 0 : i32
        %dma_start3A_172 = tpu.memref_slice %arg2[%dma_start3A_170, %dma_start3A_171] : memref<10000x64xf32, #tpu.memory_space<hbm>> -> memref<10000x64xf32, #tpu.memory_space<hbm>>
        tpu.enqueue_indirect_dma source(%dma_start3A_172 : memref<10000x64xf32, #tpu.memory_space<hbm>>) target(%arg14 : memref<80x64xf32, #tpu.memory_space<vmem>>) offsets(%dma_start3A_169 : memref<80xi32, #tpu.memory_space<vmem>>) semaphore(%arg20 : memref<!tpu.dma_semaphore, #tpu.memory_space<semaphore_mem>>)
      } else {
      }
    }
    %scan3A_45 = arith.constant 25 : i32
    %barrier3A_46 = arith.constant 0 : index
    tpu.barrier barrier_id(%barrier3A_46)
    %eq3A_47 = arith.constant 0 : i32
    %eq3A_48 = arith.cmpi eq, %arg0, %eq3A_47 : i32
    %lt3A_49 = arith.constant 15 : i32
    %lt3A_50 = arith.cmpi slt, %arg1, %lt3A_49 : i32
    %and3A = arith.andi %eq3A_48, %lt3A_50 : i1
    %convert_element_type3A_51 = arith.extui %and3A : i1 to i32
    %cond3A_52 = arith.constant 0 : i32
    %cond3A_53 = arith.cmpi ne, %convert_element_type3A_51, %cond3A_52 : i32
    scf.if %cond3A_53 {
      %mul3A_78 = arith.constant 640 : i32
      %mul3A_79 = arith.muli %arg1, %mul3A_78 : i32
      "tpu.region"() ({
        %run_scoped3A = tpu.sem_alloc : memref<!tpu.dma_semaphore, #tpu.memory_space<semaphore_mem>>
        %dma_start3A_80 = arith.constant 0 : i32
        %dma_start3A_81 = tpu.memref_slice %arg6[%mul3A_79, %dma_start3A_80] : memref<10000x64xf32, #tpu.memory_space<hbm>> -> memref<640x64xf32, #tpu.memory_space<hbm>>
        %dma_start3A_82 = arith.constant 0 : i32
        %dma_start3A_83 = tpu.memref_slice %arg15[%mul3A_79, %dma_start3A_82] : memref<10128x64xf32, #tpu.memory_space<vmem_shared>> -> memref<640x64xf32, #tpu.memory_space<vmem_shared>>
        tpu.enqueue_dma source(%dma_start3A_83 : memref<640x64xf32, #tpu.memory_space<vmem_shared>>) target(%dma_start3A_81 : memref<640x64xf32, #tpu.memory_space<hbm>>) target_semaphore(%run_scoped3A : memref<!tpu.dma_semaphore, #tpu.memory_space<semaphore_mem>>)
        %dma_wait3A = arith.constant 0 : i32
        %dma_wait3A_84 = tpu.memref_slice %arg6[%mul3A_79, %dma_wait3A] : memref<10000x64xf32, #tpu.memory_space<hbm>> -> memref<640x64xf32, #tpu.memory_space<hbm>>
        %dma_wait3A_85 = arith.constant 0 : i32
        %dma_wait3A_86 = tpu.memref_slice %arg15[%mul3A_79, %dma_wait3A_85] : memref<10128x64xf32, #tpu.memory_space<vmem_shared>> -> memref<640x64xf32, #tpu.memory_space<vmem_shared>>
        tpu.wait_dma2 semaphore(%run_scoped3A : memref<!tpu.dma_semaphore, #tpu.memory_space<semaphore_mem>>) src(%dma_wait3A_86 : memref<640x64xf32, #tpu.memory_space<vmem_shared>>) dst(%dma_wait3A_84 : memref<640x64xf32, #tpu.memory_space<hbm>>)
        tpu.yield
      }) : () -> ()
    } else {
    }
    %eq3A_54 = arith.constant 0 : i32
    %eq3A_55 = arith.cmpi eq, %arg0, %eq3A_54 : i32
    %eq3A_56 = arith.constant 15 : i32
    %eq3A_57 = arith.cmpi eq, %arg1, %eq3A_56 : i32
    %and3A_58 = arith.andi %eq3A_55, %eq3A_57 : i1
    %convert_element_type3A_59 = arith.extui %and3A_58 : i1 to i32
    %cond3A_60 = arith.constant 0 : i32
    %cond3A_61 = arith.cmpi ne, %convert_element_type3A_59, %cond3A_60 : i32
    scf.if %cond3A_61 {
      "tpu.region"() ({
        %run_scoped3A = tpu.sem_alloc : memref<!tpu.dma_semaphore, #tpu.memory_space<semaphore_mem>>
        %dma_start3A_78 = arith.constant 9600 : i32
        %dma_start3A_79 = arith.constant 0 : i32
        %dma_start3A_80 = tpu.memref_slice %arg6[%dma_start3A_78, %dma_start3A_79] : memref<10000x64xf32, #tpu.memory_space<hbm>> -> memref<400x64xf32, #tpu.memory_space<hbm>>
        %dma_start3A_81 = arith.constant 9600 : i32
        %dma_start3A_82 = arith.constant 0 : i32
        %dma_start3A_83 = tpu.memref_slice %arg15[%dma_start3A_81, %dma_start3A_82] : memref<10128x64xf32, #tpu.memory_space<vmem_shared>> -> memref<400x64xf32, #tpu.memory_space<vmem_shared>>
        tpu.enqueue_dma source(%dma_start3A_83 : memref<400x64xf32, #tpu.memory_space<vmem_shared>>) target(%dma_start3A_80 : memref<400x64xf32, #tpu.memory_space<hbm>>) target_semaphore(%run_scoped3A : memref<!tpu.dma_semaphore, #tpu.memory_space<semaphore_mem>>)
        %dma_wait3A = arith.constant 9600 : i32
        %dma_wait3A_84 = arith.constant 0 : i32
        %dma_wait3A_85 = tpu.memref_slice %arg6[%dma_wait3A, %dma_wait3A_84] : memref<10000x64xf32, #tpu.memory_space<hbm>> -> memref<400x64xf32, #tpu.memory_space<hbm>>
        %dma_wait3A_86 = arith.constant 9600 : i32
        %dma_wait3A_87 = arith.constant 0 : i32
        %dma_wait3A_88 = tpu.memref_slice %arg15[%dma_wait3A_86, %dma_wait3A_87] : memref<10128x64xf32, #tpu.memory_space<vmem_shared>> -> memref<400x64xf32, #tpu.memory_space<vmem_shared>>
        tpu.wait_dma2 semaphore(%run_scoped3A : memref<!tpu.dma_semaphore, #tpu.memory_space<semaphore_mem>>) src(%dma_wait3A_88 : memref<400x64xf32, #tpu.memory_space<vmem_shared>>) dst(%dma_wait3A_85 : memref<400x64xf32, #tpu.memory_space<hbm>>)
        tpu.yield
      }) : () -> ()
    } else {
    }
    %eq3A_62 = arith.constant 1 : i32
    %eq3A_63 = arith.cmpi eq, %arg0, %eq3A_62 : i32
    %lt3A_64 = arith.constant 15 : i32
    %lt3A_65 = arith.cmpi slt, %arg1, %lt3A_64 : i32
    %and3A_66 = arith.andi %eq3A_63, %lt3A_65 : i1
    %convert_element_type3A_67 = arith.extui %and3A_66 : i1 to i32
    %cond3A_68 = arith.constant 0 : i32
    %cond3A_69 = arith.cmpi ne, %convert_element_type3A_67, %cond3A_68 : i32
    scf.if %cond3A_69 {
      %mul3A_78 = arith.constant 640 : i32
      %mul3A_79 = arith.muli %arg1, %mul3A_78 : i32
      "tpu.region"() ({
        %run_scoped3A = tpu.sem_alloc : memref<!tpu.dma_semaphore, #tpu.memory_space<semaphore_mem>>
        %dma_start3A_80 = arith.constant 0 : i32
        %dma_start3A_81 = tpu.memref_slice %arg7[%mul3A_79, %dma_start3A_80] : memref<10000x64xf32, #tpu.memory_space<hbm>> -> memref<640x64xf32, #tpu.memory_space<hbm>>
        %dma_start3A_82 = arith.constant 0 : i32
        %dma_start3A_83 = tpu.memref_slice %arg15[%mul3A_79, %dma_start3A_82] : memref<10128x64xf32, #tpu.memory_space<vmem_shared>> -> memref<640x64xf32, #tpu.memory_space<vmem_shared>>
        tpu.enqueue_dma source(%dma_start3A_83 : memref<640x64xf32, #tpu.memory_space<vmem_shared>>) target(%dma_start3A_81 : memref<640x64xf32, #tpu.memory_space<hbm>>) target_semaphore(%run_scoped3A : memref<!tpu.dma_semaphore, #tpu.memory_space<semaphore_mem>>)
        %dma_wait3A = arith.constant 0 : i32
        %dma_wait3A_84 = tpu.memref_slice %arg7[%mul3A_79, %dma_wait3A] : memref<10000x64xf32, #tpu.memory_space<hbm>> -> memref<640x64xf32, #tpu.memory_space<hbm>>
        %dma_wait3A_85 = arith.constant 0 : i32
        %dma_wait3A_86 = tpu.memref_slice %arg15[%mul3A_79, %dma_wait3A_85] : memref<10128x64xf32, #tpu.memory_space<vmem_shared>> -> memref<640x64xf32, #tpu.memory_space<vmem_shared>>
        tpu.wait_dma2 semaphore(%run_scoped3A : memref<!tpu.dma_semaphore, #tpu.memory_space<semaphore_mem>>) src(%dma_wait3A_86 : memref<640x64xf32, #tpu.memory_space<vmem_shared>>) dst(%dma_wait3A_84 : memref<640x64xf32, #tpu.memory_space<hbm>>)
        tpu.yield
      }) : () -> ()
    } else {
    }
    %eq3A_70 = arith.constant 1 : i32
    %eq3A_71 = arith.cmpi eq, %arg0, %eq3A_70 : i32
    %eq3A_72 = arith.constant 15 : i32
    %eq3A_73 = arith.cmpi eq, %arg1, %eq3A_72 : i32
    %and3A_74 = arith.andi %eq3A_71, %eq3A_73 : i1
    %convert_element_type3A_75 = arith.extui %and3A_74 : i1 to i32
    %cond3A_76 = arith.constant 0 : i32
    %cond3A_77 = arith.cmpi ne, %convert_element_type3A_75, %cond3A_76 : i32
    scf.if %cond3A_77 {
      "tpu.region"() ({
        %run_scoped3A = tpu.sem_alloc : memref<!tpu.dma_semaphore, #tpu.memory_space<semaphore_mem>>
        %dma_start3A_78 = arith.constant 9600 : i32
        %dma_start3A_79 = arith.constant 0 : i32
        %dma_start3A_80 = tpu.memref_slice %arg7[%dma_start3A_78, %dma_start3A_79] : memref<10000x64xf32, #tpu.memory_space<hbm>> -> memref<400x64xf32, #tpu.memory_space<hbm>>
        %dma_start3A_81 = arith.constant 9600 : i32
        %dma_start3A_82 = arith.constant 0 : i32
        %dma_start3A_83 = tpu.memref_slice %arg15[%dma_start3A_81, %dma_start3A_82] : memref<10128x64xf32, #tpu.memory_space<vmem_shared>> -> memref<400x64xf32, #tpu.memory_space<vmem_shared>>
        tpu.enqueue_dma source(%dma_start3A_83 : memref<400x64xf32, #tpu.memory_space<vmem_shared>>) target(%dma_start3A_80 : memref<400x64xf32, #tpu.memory_space<hbm>>) target_semaphore(%run_scoped3A : memref<!tpu.dma_semaphore, #tpu.memory_space<semaphore_mem>>)
        %dma_wait3A = arith.constant 9600 : i32
        %dma_wait3A_84 = arith.constant 0 : i32
        %dma_wait3A_85 = tpu.memref_slice %arg7[%dma_wait3A, %dma_wait3A_84] : memref<10000x64xf32, #tpu.memory_space<hbm>> -> memref<400x64xf32, #tpu.memory_space<hbm>>
        %dma_wait3A_86 = arith.constant 9600 : i32
        %dma_wait3A_87 = arith.constant 0 : i32
        %dma_wait3A_88 = tpu.memref_slice %arg15[%dma_wait3A_86, %dma_wait3A_87] : memref<10128x64xf32, #tpu.memory_space<vmem_shared>> -> memref<400x64xf32, #tpu.memory_space<vmem_shared>>
        tpu.wait_dma2 semaphore(%run_scoped3A : memref<!tpu.dma_semaphore, #tpu.memory_space<semaphore_mem>>) src(%dma_wait3A_88 : memref<400x64xf32, #tpu.memory_space<vmem_shared>>) dst(%dma_wait3A_85 : memref<400x64xf32, #tpu.memory_space<hbm>>)
        tpu.yield
      }) : () -> ()
    } else {
    }
    return
  }
}

module attributes {stable_mosaic.version = 14 : i64} {
  func.func @_proj2_body(%arg0: i32, %arg1: memref<2000x128xf32, #tpu.memory_space<vmem>>, %arg2: memref<128x64xf32, #tpu.memory_space<vmem>>, %arg3: memref<128x64xf32, #tpu.memory_space<vmem>>, %arg4: memref<2000x64xf32, #tpu.memory_space<vmem>>, %arg5: memref<2000x64xf32, #tpu.memory_space<vmem>>) attributes {dimension_semantics = [#tpu.dimension_semantics<arbitrary>], iteration_bounds = array<i64: 5>, scalar_prefetch = 0 : i64, scratch_operands = 0 : i64, tpu.core_type = #tpu.core_type<tc>, window_params = [{transform_indices = @transform_0, window_bounds = array<i64: 2000, 128>}, {pipeline_mode = #tpu.pipeline_mode<synchronous>, transform_indices = @transform_1, window_bounds = array<i64: 128, 64>}, {pipeline_mode = #tpu.pipeline_mode<synchronous>, transform_indices = @transform_2, window_bounds = array<i64: 128, 64>}, {transform_indices = @transform_3, window_bounds = array<i64: 2000, 64>}, {transform_indices = @transform_4, window_bounds = array<i64: 2000, 64>}]} {
    %get3A = arith.constant 0 : index
    %get3A_0 = arith.constant 0 : index
    %get3A_1 = vector.load %arg1[%get3A, %get3A_0] : memref<2000x128xf32, #tpu.memory_space<vmem>>, vector<2000x128xf32>
    %get3A_2 = arith.constant 0 : index
    %get3A_3 = arith.constant 0 : index
    %get3A_4 = vector.load %arg2[%get3A_2, %get3A_3] : memref<128x64xf32, #tpu.memory_space<vmem>>, vector<128x64xf32>
    %dot_general3A = arith.constant dense<0.000000e+00> : vector<2000x64xf32>
    %dot_general3A_5 = tpu.matmul %get3A_1, %get3A_4, %dot_general3A {dimension_numbers = #tpu.dot_dimension_numbers<[1], [0], [0], [1], [0, 0, 1, 1], [], []>, transpose_lhs_hint = false} : vector<2000x128xf32>, vector<128x64xf32>, vector<2000x64xf32> -> vector<2000x64xf32>
    %swap3A = arith.constant 0 : index
    %swap3A_6 = arith.constant 0 : index
    %swap3A_7 = vector.load %arg4[%swap3A, %swap3A_6] : memref<2000x64xf32, #tpu.memory_space<vmem>>, vector<2000x64xf32>
    tpu.vector_store %arg4[%swap3A, %swap3A_6], %dot_general3A_5 {strides = array<i32>} : memref<2000x64xf32, #tpu.memory_space<vmem>>, vector<2000x64xf32>,
    %get3A_8 = arith.constant 0 : index
    %get3A_9 = arith.constant 0 : index
    %get3A_10 = vector.load %arg3[%get3A_8, %get3A_9] : memref<128x64xf32, #tpu.memory_space<vmem>>, vector<128x64xf32>
    %dot_general3A_11 = arith.constant dense<0.000000e+00> : vector<2000x64xf32>
    %dot_general3A_12 = tpu.matmul %get3A_1, %get3A_10, %dot_general3A_11 {dimension_numbers = #tpu.dot_dimension_numbers<[1], [0], [0], [1], [0, 0, 1, 1], [], []>, transpose_lhs_hint = false} : vector<2000x128xf32>, vector<128x64xf32>, vector<2000x64xf32> -> vector<2000x64xf32>
    %swap3A_13 = arith.constant 0 : index
    %swap3A_14 = arith.constant 0 : index
    %swap3A_15 = vector.load %arg5[%swap3A_13, %swap3A_14] : memref<2000x64xf32, #tpu.memory_space<vmem>>, vector<2000x64xf32>
    tpu.vector_store %arg5[%swap3A_13, %swap3A_14], %dot_general3A_12 {strides = array<i32>} : memref<2000x64xf32, #tpu.memory_space<vmem>>, vector<2000x64xf32>,
    return
  }
  func.func @transform_0(%arg0: i32) -> (i32, i32) {
    %c0_i32 = arith.constant 0 : i32
    %c0_i32_0 = arith.constant 0 : i32
    return %arg0, %c0_i32 : i32, i32
  }
  func.func @transform_1(%arg0: i32) -> (i32, i32) {
    %c0_i32 = arith.constant 0 : i32
    %c0_i32_0 = arith.constant 0 : i32
    %c0_i32_1 = arith.constant 0 : i32
    return %c0_i32, %c0_i32_0 : i32, i32
  }
  func.func @transform_2(%arg0: i32) -> (i32, i32) {
    %c0_i32 = arith.constant 0 : i32
    %c0_i32_0 = arith.constant 0 : i32
    %c0_i32_1 = arith.constant 0 : i32
    return %c0_i32, %c0_i32_0 : i32, i32
  }
  func.func @transform_3(%arg0: i32) -> (i32, i32) {
    %c0_i32 = arith.constant 0 : i32
    %c0_i32_0 = arith.constant 0 : i32
    return %arg0, %c0_i32 : i32, i32
  }
  func.func @transform_4(%arg0: i32) -> (i32, i32) {
    %c0_i32 = arith.constant 0 : i32
    %c0_i32_0 = arith.constant 0 : i32
    return %arg0, %c0_i32 : i32, i32
  }
}

module attributes {stable_mosaic.version = 14 : i64} {
  func.func @_comb_body(%arg0: i32, %arg1: memref<2000x64xf32, #tpu.memory_space<vmem>>, %arg2: memref<2000x64xf32, #tpu.memory_space<vmem>>, %arg3: memref<2000x1xf32, #tpu.memory_space<vmem>>, %arg4: memref<2000x1xf32, #tpu.memory_space<vmem>>, %arg5: memref<2000x64xf32, #tpu.memory_space<vmem>>, %arg6: memref<1x64xf32, #tpu.memory_space<vmem>>, %arg7: memref<64x64xf32, #tpu.memory_space<vmem>>, %arg8: memref<64x64xf32, #tpu.memory_space<vmem>>, %arg9: memref<2000x64xf32, #tpu.memory_space<vmem>>, %arg10: memref<2000x64xf32, #tpu.memory_space<vmem>>) attributes {dimension_semantics = [#tpu.dimension_semantics<arbitrary>], iteration_bounds = array<i64: 5>, scalar_prefetch = 0 : i64, scratch_operands = 0 : i64, tpu.core_type = #tpu.core_type<tc>, window_params = [{transform_indices = @transform_0, window_bounds = array<i64: 2000, 64>}, {transform_indices = @transform_1, window_bounds = array<i64: 2000, 64>}, {transform_indices = @transform_2, window_bounds = array<i64: 2000, 1>}, {transform_indices = @transform_3, window_bounds = array<i64: 2000, 1>}, {transform_indices = @transform_4, window_bounds = array<i64: 2000, 64>}, {pipeline_mode = #tpu.pipeline_mode<synchronous>, transform_indices = @transform_5, window_bounds = array<i64: 1, 64>}, {pipeline_mode = #tpu.pipeline_mode<synchronous>, transform_indices = @transform_6, window_bounds = array<i64: 64, 64>}, {pipeline_mode = #tpu.pipeline_mode<synchronous>, transform_indices = @transform_7, window_bounds = array<i64: 64, 64>}, {transform_indices = @transform_8, window_bounds = array<i64: 2000, 64>}, {transform_indices = @transform_9, window_bounds = array<i64: 2000, 64>}]} {
    %get3A = arith.constant 0 : index
    %get3A_0 = arith.constant 0 : index
    %get3A_1 = vector.load %arg3[%get3A, %get3A_0] : memref<2000x1xf32, #tpu.memory_space<vmem>>, vector<2000x1xf32>
    %get3A_2 = arith.constant 0 : index
    %get3A_3 = arith.constant 0 : index
    %get3A_4 = vector.load %arg4[%get3A_2, %get3A_3] : memref<2000x1xf32, #tpu.memory_space<vmem>>, vector<2000x1xf32>
    %add3A = arith.addf %get3A_1, %get3A_4 : vector<2000x1xf32>
    %max3A = arith.constant 1.000000e+00 : f32
    %max3A_5 = vector.broadcast %max3A : f32 to vector<2000x1xf32>
    %max3A_6 = arith.maximumf %add3A, %max3A_5 : vector<2000x1xf32>
    %get3A_7 = arith.constant 0 : index
    %get3A_8 = arith.constant 0 : index
    %get3A_9 = vector.load %arg1[%get3A_7, %get3A_8] : memref<2000x64xf32, #tpu.memory_space<vmem>>, vector<2000x64xf32>
    %get3A_10 = arith.constant 0 : index
    %get3A_11 = arith.constant 0 : index
    %get3A_12 = vector.load %arg2[%get3A_10, %get3A_11] : memref<2000x64xf32, #tpu.memory_space<vmem>>, vector<2000x64xf32>
    %add3A_13 = arith.addf %get3A_9, %get3A_12 : vector<2000x64xf32>
    %div3A = vector.broadcast %max3A_6 : vector<2000x1xf32> to vector<2000x64xf32>
    %div3A_14 = arith.divf %add3A_13, %div3A : vector<2000x64xf32>
    %get3A_15 = arith.constant 0 : index
    %get3A_16 = arith.constant 0 : index
    %get3A_17 = vector.load %arg6[%get3A_15, %get3A_16] : memref<1x64xf32, #tpu.memory_space<vmem>>, vector<1x64xf32>
    %add3A_18 = vector.broadcast %get3A_17 : vector<1x64xf32> to vector<2000x64xf32>
    %add3A_19 = arith.addf %div3A_14, %add3A_18 : vector<2000x64xf32>
    %get3A_20 = arith.constant 0 : index
    %get3A_21 = arith.constant 0 : index
    %get3A_22 = vector.load %arg5[%get3A_20, %get3A_21] : memref<2000x64xf32, #tpu.memory_space<vmem>>, vector<2000x64xf32>
    %add3A_23 = arith.addf %add3A_19, %get3A_22 : vector<2000x64xf32>
    %max3A_24 = arith.constant 0.000000e+00 : f32
    %max3A_25 = vector.broadcast %max3A_24 : f32 to vector<2000x64xf32>
    %max3A_26 = arith.maximumf %add3A_23, %max3A_25 : vector<2000x64xf32>
    %get3A_27 = arith.constant 0 : index
    %get3A_28 = arith.constant 0 : index
    %get3A_29 = vector.load %arg7[%get3A_27, %get3A_28] : memref<64x64xf32, #tpu.memory_space<vmem>>, vector<64x64xf32>
    %dot_general3A = arith.constant dense<0.000000e+00> : vector<2000x64xf32>
    %dot_general3A_30 = tpu.matmul %max3A_26, %get3A_29, %dot_general3A {dimension_numbers = #tpu.dot_dimension_numbers<[1], [0], [0], [1], [0, 0, 1, 1], [], []>, transpose_lhs_hint = false} : vector<2000x64xf32>, vector<64x64xf32>, vector<2000x64xf32> -> vector<2000x64xf32>
    %swap3A = arith.constant 0 : index
    %swap3A_31 = arith.constant 0 : index
    %swap3A_32 = vector.load %arg9[%swap3A, %swap3A_31] : memref<2000x64xf32, #tpu.memory_space<vmem>>, vector<2000x64xf32>
    tpu.vector_store %arg9[%swap3A, %swap3A_31], %dot_general3A_30 {strides = array<i32>} : memref<2000x64xf32, #tpu.memory_space<vmem>>, vector<2000x64xf32>,
    %get3A_33 = arith.constant 0 : index
    %get3A_34 = arith.constant 0 : index
    %get3A_35 = vector.load %arg8[%get3A_33, %get3A_34] : memref<64x64xf32, #tpu.memory_space<vmem>>, vector<64x64xf32>
    %dot_general3A_36 = arith.constant dense<0.000000e+00> : vector<2000x64xf32>
    %dot_general3A_37 = tpu.matmul %max3A_26, %get3A_35, %dot_general3A_36 {dimension_numbers = #tpu.dot_dimension_numbers<[1], [0], [0], [1], [0, 0, 1, 1], [], []>, transpose_lhs_hint = false} : vector<2000x64xf32>, vector<64x64xf32>, vector<2000x64xf32> -> vector<2000x64xf32>
    %swap3A_38 = arith.constant 0 : index
    %swap3A_39 = arith.constant 0 : index
    %swap3A_40 = vector.load %arg10[%swap3A_38, %swap3A_39] : memref<2000x64xf32, #tpu.memory_space<vmem>>, vector<2000x64xf32>
    tpu.vector_store %arg10[%swap3A_38, %swap3A_39], %dot_general3A_37 {strides = array<i32>} : memref<2000x64xf32, #tpu.memory_space<vmem>>, vector<2000x64xf32>,
    return
  }
  func.func @transform_0(%arg0: i32) -> (i32, i32) {
    %c0_i32 = arith.constant 0 : i32
    %c0_i32_0 = arith.constant 0 : i32
    return %arg0, %c0_i32 : i32, i32
  }
  func.func @transform_1(%arg0: i32) -> (i32, i32) {
    %c0_i32 = arith.constant 0 : i32
    %c0_i32_0 = arith.constant 0 : i32
    return %arg0, %c0_i32 : i32, i32
  }
  func.func @transform_2(%arg0: i32) -> (i32, i32) {
    %c0_i32 = arith.constant 0 : i32
    %c0_i32_0 = arith.constant 0 : i32
    return %arg0, %c0_i32 : i32, i32
  }
  func.func @transform_3(%arg0: i32) -> (i32, i32) {
    %c0_i32 = arith.constant 0 : i32
    %c0_i32_0 = arith.constant 0 : i32
    return %arg0, %c0_i32 : i32, i32
  }
  func.func @transform_4(%arg0: i32) -> (i32, i32) {
    %c0_i32 = arith.constant 0 : i32
    %c0_i32_0 = arith.constant 0 : i32
    return %arg0, %c0_i32 : i32, i32
  }
  func.func @transform_5(%arg0: i32) -> (i32, i32) {
    %c0_i32 = arith.constant 0 : i32
    %c0_i32_0 = arith.constant 0 : i32
    %c0_i32_1 = arith.constant 0 : i32
    return %c0_i32, %c0_i32_0 : i32, i32
  }
  func.func @transform_6(%arg0: i32) -> (i32, i32) {
    %c0_i32 = arith.constant 0 : i32
    %c0_i32_0 = arith.constant 0 : i32
    %c0_i32_1 = arith.constant 0 : i32
    return %c0_i32, %c0_i32_0 : i32, i32
  }
  func.func @transform_7(%arg0: i32) -> (i32, i32) {
    %c0_i32 = arith.constant 0 : i32
    %c0_i32_0 = arith.constant 0 : i32
    %c0_i32_1 = arith.constant 0 : i32
    return %c0_i32, %c0_i32_0 : i32, i32
  }
  func.func @transform_8(%arg0: i32) -> (i32, i32) {
    %c0_i32 = arith.constant 0 : i32
    %c0_i32_0 = arith.constant 0 : i32
    return %arg0, %c0_i32 : i32, i32
  }
  func.func @transform_9(%arg0: i32) -> (i32, i32) {
    %c0_i32 = arith.constant 0 : i32
    %c0_i32_0 = arith.constant 0 : i32
    return %arg0, %c0_i32 : i32, i32
  }
}

module attributes {stable_mosaic.version = 14 : i64} {
  func.func @_fin_body(%arg0: i32, %arg1: memref<2000x64xf32, #tpu.memory_space<vmem>>, %arg2: memref<2000x64xf32, #tpu.memory_space<vmem>>, %arg3: memref<2000x1xf32, #tpu.memory_space<vmem>>, %arg4: memref<2000x1xf32, #tpu.memory_space<vmem>>, %arg5: memref<2000x64xf32, #tpu.memory_space<vmem>>, %arg6: memref<1x64xf32, #tpu.memory_space<vmem>>, %arg7: memref<64x1xf32, #tpu.memory_space<vmem>>, %arg8: memref<1x1xf32, #tpu.memory_space<vmem>>, %arg9: memref<2000x1xf32, #tpu.memory_space<vmem>>) attributes {dimension_semantics = [#tpu.dimension_semantics<arbitrary>], iteration_bounds = array<i64: 5>, scalar_prefetch = 0 : i64, scratch_operands = 0 : i64, tpu.core_type = #tpu.core_type<tc>, window_params = [{transform_indices = @transform_0, window_bounds = array<i64: 2000, 64>}, {transform_indices = @transform_1, window_bounds = array<i64: 2000, 64>}, {transform_indices = @transform_2, window_bounds = array<i64: 2000, 1>}, {transform_indices = @transform_3, window_bounds = array<i64: 2000, 1>}, {transform_indices = @transform_4, window_bounds = array<i64: 2000, 64>}, {pipeline_mode = #tpu.pipeline_mode<synchronous>, transform_indices = @transform_5, window_bounds = array<i64: 1, 64>}, {pipeline_mode = #tpu.pipeline_mode<synchronous>, transform_indices = @transform_6, window_bounds = array<i64: 64, 1>}, {pipeline_mode = #tpu.pipeline_mode<synchronous>, transform_indices = @transform_7, window_bounds = array<i64: 1, 1>}, {transform_indices = @transform_8, window_bounds = array<i64: 2000, 1>}]} {
    %get3A = arith.constant 0 : index
    %get3A_0 = arith.constant 0 : index
    %get3A_1 = vector.load %arg3[%get3A, %get3A_0] : memref<2000x1xf32, #tpu.memory_space<vmem>>, vector<2000x1xf32>
    %get3A_2 = arith.constant 0 : index
    %get3A_3 = arith.constant 0 : index
    %get3A_4 = vector.load %arg4[%get3A_2, %get3A_3] : memref<2000x1xf32, #tpu.memory_space<vmem>>, vector<2000x1xf32>
    %add3A = arith.addf %get3A_1, %get3A_4 : vector<2000x1xf32>
    %max3A = arith.constant 1.000000e+00 : f32
    %max3A_5 = vector.broadcast %max3A : f32 to vector<2000x1xf32>
    %max3A_6 = arith.maximumf %add3A, %max3A_5 : vector<2000x1xf32>
    %get3A_7 = arith.constant 0 : index
    %get3A_8 = arith.constant 0 : index
    %get3A_9 = vector.load %arg1[%get3A_7, %get3A_8] : memref<2000x64xf32, #tpu.memory_space<vmem>>, vector<2000x64xf32>
    %get3A_10 = arith.constant 0 : index
    %get3A_11 = arith.constant 0 : index
    %get3A_12 = vector.load %arg2[%get3A_10, %get3A_11] : memref<2000x64xf32, #tpu.memory_space<vmem>>, vector<2000x64xf32>
    %add3A_13 = arith.addf %get3A_9, %get3A_12 : vector<2000x64xf32>
    %div3A = vector.broadcast %max3A_6 : vector<2000x1xf32> to vector<2000x64xf32>
    %div3A_14 = arith.divf %add3A_13, %div3A : vector<2000x64xf32>
    %get3A_15 = arith.constant 0 : index
    %get3A_16 = arith.constant 0 : index
    %get3A_17 = vector.load %arg6[%get3A_15, %get3A_16] : memref<1x64xf32, #tpu.memory_space<vmem>>, vector<1x64xf32>
    %add3A_18 = vector.broadcast %get3A_17 : vector<1x64xf32> to vector<2000x64xf32>
    %add3A_19 = arith.addf %div3A_14, %add3A_18 : vector<2000x64xf32>
    %get3A_20 = arith.constant 0 : index
    %get3A_21 = arith.constant 0 : index
    %get3A_22 = vector.load %arg5[%get3A_20, %get3A_21] : memref<2000x64xf32, #tpu.memory_space<vmem>>, vector<2000x64xf32>
    %add3A_23 = arith.addf %add3A_19, %get3A_22 : vector<2000x64xf32>
    %max3A_24 = arith.constant 0.000000e+00 : f32
    %max3A_25 = vector.broadcast %max3A_24 : f32 to vector<2000x64xf32>
    %max3A_26 = arith.maximumf %add3A_23, %max3A_25 : vector<2000x64xf32>
    %get3A_27 = arith.constant 0 : index
    %get3A_28 = arith.constant 0 : index
    %get3A_29 = vector.load %arg7[%get3A_27, %get3A_28] : memref<64x1xf32, #tpu.memory_space<vmem>>, vector<64x1xf32>
    %dot_general3A = arith.constant dense<0.000000e+00> : vector<2000x1xf32>
    %dot_general3A_30 = tpu.matmul %max3A_26, %get3A_29, %dot_general3A {dimension_numbers = #tpu.dot_dimension_numbers<[1], [0], [0], [1], [0, 0, 1, 1], [], []>, transpose_lhs_hint = false} : vector<2000x64xf32>, vector<64x1xf32>, vector<2000x1xf32> -> vector<2000x1xf32>
    %get3A_31 = arith.constant 0 : index
    %get3A_32 = arith.constant 0 : index
    %get3A_33 = vector.load %arg8[%get3A_31, %get3A_32] : memref<1x1xf32, #tpu.memory_space<vmem>>, vector<1x1xf32>
    %add3A_34 = vector.broadcast %get3A_33 : vector<1x1xf32> to vector<2000x1xf32>
    %add3A_35 = arith.addf %dot_general3A_30, %add3A_34 : vector<2000x1xf32>
    %swap3A = arith.constant 0 : index
    %swap3A_36 = arith.constant 0 : index
    %swap3A_37 = vector.load %arg9[%swap3A, %swap3A_36] : memref<2000x1xf32, #tpu.memory_space<vmem>>, vector<2000x1xf32>
    tpu.vector_store %arg9[%swap3A, %swap3A_36], %add3A_35 {strides = array<i32>} : memref<2000x1xf32, #tpu.memory_space<vmem>>, vector<2000x1xf32>,
    return
  }
  func.func @transform_0(%arg0: i32) -> (i32, i32) {
    %c0_i32 = arith.constant 0 : i32
    %c0_i32_0 = arith.constant 0 : i32
    return %arg0, %c0_i32 : i32, i32
  }
  func.func @transform_1(%arg0: i32) -> (i32, i32) {
    %c0_i32 = arith.constant 0 : i32
    %c0_i32_0 = arith.constant 0 : i32
    return %arg0, %c0_i32 : i32, i32
  }
  func.func @transform_2(%arg0: i32) -> (i32, i32) {
    %c0_i32 = arith.constant 0 : i32
    %c0_i32_0 = arith.constant 0 : i32
    return %arg0, %c0_i32 : i32, i32
  }
  func.func @transform_3(%arg0: i32) -> (i32, i32) {
    %c0_i32 = arith.constant 0 : i32
    %c0_i32_0 = arith.constant 0 : i32
    return %arg0, %c0_i32 : i32, i32
  }
  func.func @transform_4(%arg0: i32) -> (i32, i32) {
    %c0_i32 = arith.constant 0 : i32
    %c0_i32_0 = arith.constant 0 : i32
    return %arg0, %c0_i32 : i32, i32
  }
  func.func @transform_5(%arg0: i32) -> (i32, i32) {
    %c0_i32 = arith.constant 0 : i32
    %c0_i32_0 = arith.constant 0 : i32
    %c0_i32_1 = arith.constant 0 : i32
    return %c0_i32, %c0_i32_0 : i32, i32
  }
  func.func @transform_6(%arg0: i32) -> (i32, i32) {
    %c0_i32 = arith.constant 0 : i32
    %c0_i32_0 = arith.constant 0 : i32
    %c0_i32_1 = arith.constant 0 : i32
    return %c0_i32, %c0_i32_0 : i32, i32
  }
  func.func @transform_7(%arg0: i32) -> (i32, i32) {
    %c0_i32 = arith.constant 0 : i32
    %c0_i32_0 = arith.constant 0 : i32
    %c0_i32_1 = arith.constant 0 : i32
    return %c0_i32, %c0_i32_0 : i32, i32
  }
  func.func @transform_8(%arg0: i32) -> (i32, i32) {
    %c0_i32 = arith.constant 0 : i32
    %c0_i32_0 = arith.constant 0 : i32
    return %arg0, %c0_i32 : i32, i32
  }
}

</mosaic_0001>

<sc_bundles>
// kernel: kernel.10.cloned.1.call-start
scs
__scs_entry_jumppad:
0x0: {  	(pc) =	sbr.rel $0x88, $3  }
0x1: {  	(tag) =	ssettag $0x0;
	lr =	simm.s32 $0x1  }
0x2: {  	[smem:$0x3F97] =	sst lr;
	_ =	strace $0xD0000000  }
0x3: {  	_ = 	snop  }
0x4: {  	_ = 	snop  }
0x5: {  	_ = 	snop  }
0x6: {  	_ = 	snop  }
0x7: {  	_ = 	snop  }
__scs_overlays_trampoline_lowered:
0x8: {  	[smem:$0x3FA6] =	sst s0  }
0x9: {  	[smem:$0x3FA7] =	sst s1  }
0xa: {  	[smem:$0x3FA8] =	sst s2  }
0xb: {  	[smem:$0x3FA9] =	sst s3  }
0xc: {  	[smem:$0x3FAA] =	sst s4  }
0xd: {  	[smem:$0x3FAB] =	sst s5  }
0xe: {  	[smem:$0x3FAC] =	sst s6  }
0xf: {  	[smem:$0x3FAD] =	sst s7  }
0x10: {  	[smem:$0x3FAE] =	sst s8  }
0x11: {  	[smem:$0x3FAF] =	sst s9;
	s0 =	simm.s32 @!p0 $0x0  }
0x12: {  	s1 =	sld [smem:$0x3F95];
	s0 =	simm.s32 @p0 $0x1  }
0x13: {  	[smem:$0x3FB0] =	sst s0;
	s0 =	simm.s32 @!p1 $0x0  }
0x14: {  	s2 =	sld [smem:$0x3F94];
	s0 =	simm.s32 @p1 $0x1  }
0x15: {  	[smem:$0x3FB1] =	sst s0;
	s0 =	simm.s32 @!p2 $0x0  }
0x16: {  	s3 =	sld [smem:$0x3FDB];
	s0 =	simm.s32 @p2 $0x1  }
0x17: {  	s4 =	simm.s32 $0x1BF5;
	[smem:$0x3FB3] =	sst s0  }
0x18: {  	s0 =	sld [smem:$0x3F96];
	_ =	swait.ge [sflag:s4], $0x0  }
0x19: {  	s7 =	sld [smem:$0x3F97]  }
0x1a: {  	s8 =	sadd.s32 $0xFFFFE003, lr  }
0x1b: {  	s9 =	sadd.s32 $0xFFFFFEF7, lr;
	s5 =	simm.s32 $0xFFFFFFFF;
	p2 =	slt.u32 s8, $0xFFFFF086  }
0x1c: {  	p1 =	slt.u32 s9, $0xF7A;
	s5 =	simm.s32 @!p2 $0x0  }
0x1d: {  	s5 =	simm.s32 @p1 $0x1;
	p0 =	seq.s32 s7, s2  }
0x1e: {  	s7 =	smul.u32 @!p0 $0xF7A, s2;
	p2 =	seq.s32 @!p0 s5, $0x0  }
0x1f: {  	s9 =	smul.u32 $0xF7A, s1;
	s8 =	simm.s32 @!p0 $0x1BF5;
	p2 =	por !p2, p0  }
0x20: {  	[sflag:s8] =	ssyncset.s32 @!p0 $0xFFFFF086;
	s6 =	sadd.s32 @!p0 s3, s7;
	s7 =	simm.s32 @!p0 $0x108  }
0x21: {  	s3 =	sadd.s32 s3, s9;
	s6 =	sadd.s32 @!p0 $0x88, s6;
	s7 =	simm.s32 @p2 $0x1082  }
0x22: {  	[simem:s7], [sflag:s8] =	dma.local @!p0 [hbm:s6], $0xF7A  }
0x23: {  	s9 =	sor.u32 $0xD0000000, s2;
	s6 =	simm.s32 $0x108;
	_ =	swait.ge @!p0 [sflag:s8], $0x0  }
0x24: {  	s3 =	sadd.s32 $0x88, s3;
	s6 =	simm.s32 @!p1 $0x1082;
	[sflag:s4] =	ssyncset.s32 $0xFFFFF086  }
0x25: {  	[simem:s6], [sflag:s4] =	dma.local [hbm:s3], $0xF7A  }
0x26: {  	[smem:$0x3F97] =	sst s1;
	(tag) =	ssettag s2;
	_ =	strace s9  }
0x27: {  	s1 =	sld [smem:$0x3FA7]  }
0x28: {  	s2 =	sld [smem:$0x3FA8]  }
0x29: {  	s4 =	sld [smem:$0x3FAA]  }
0x2a: {  	p0 =	seq.s32 s5, $0x0;
	s5 =	sld [smem:$0x3FAB]  }
0x2b: {  	s6 =	sld [smem:$0x3FAC]  }
0x2c: {  	s7 =	sld [smem:$0x3FAD]  }
0x2d: {  	s3 =	simm.s32 $0x108;
	s8 =	sld [smem:$0x3FAE]  }
0x2e: {  	s3 =	simm.s32 @!p0 $0x1082;
	s9 =	sld [smem:$0x3FAF]  }
0x2f: {  	lr =	sadd.s32 s0, s3;
	s0 =	sld [smem:$0x3FA6]  }
0x30: {  	s3 =	sld [smem:$0x3FA9]  }
0x31: {  	[smem:$0x3FB2] =	sst s10  }
0x32: {  	s10 =	sld [smem:$0x3FB0];
	_ =	sdelay $0x3  }
0x33: {  	p0 =	seq.s32 s10, $0x1;
	s10 =	sld [smem:$0x3FB2];
	_ =	sdelay $0x3  }
0x34: {  	[smem:$0x3FB2] =	sst s10  }
0x35: {  	s10 =	sld [smem:$0x3FB1];
	_ =	sdelay $0x3  }
0x36: {  	p1 =	seq.s32 s10, $0x1;
	s10 =	sld [smem:$0x3FB2];
	_ =	sdelay $0x3  }
0x37: {  	[smem:$0x3FB2] =	sst s10  }
0x38: {  	s10 =	sld [smem:$0x3FB3]  }
0x39: {  	_ = 	snop;
	(pc) =	sbr.ind lr, $3  }
0x3a: {  	_ = 	snop  }
0x3b: {  	_ = 	snop  }
0x3c: {  	p2 =	seq.s32 s10, $0x1;
	s10 =	sld [smem:$0x3FB2]  }
0x3d: {  	_ =	shalt  }
0x3e: {  	_ =	shalt  }
0x3f: {  	_ =	shalt  }
0x40: {  	_ =	shalt  }
0x41: {  	_ =	shalt  }
0x42: {  	_ =	shalt  }
0x43: {  	_ =	shalt  }
0x44: {  	_ =	shalt  }
0x45: {  	_ =	shalt  }
0x46: {  	_ =	shalt  }
0x47: {  	_ =	shalt  }
0x48: {  	_ =	shalt  }
0x49: {  	_ =	shalt  }
0x4a: {  	_ =	shalt  }
0x4b: {  	_ =	shalt  }
0x4c: {  	_ =	shalt  }
0x4d: {  	_ =	shalt  }
0x4e: {  	_ =	shalt  }
0x4f: {  	_ =	shalt  }
0x50: {  	_ =	shalt  }
0x51: {  	_ =	shalt  }
0x52: {  	_ =	shalt  }
0x53: {  	_ =	shalt  }
0x54: {  	_ =	shalt  }
0x55: {  	_ =	shalt  }
0x56: {  	_ =	shalt  }
0x57: {  	_ =	shalt  }
0x58: {  	_ =	shalt  }
0x59: {  	_ =	shalt  }
0x5a: {  	_ =	shalt  }
0x5b: {  	_ =	shalt  }
0x5c: {  	_ =	shalt  }
0x5d: {  	_ =	shalt  }
0x5e: {  	_ =	shalt  }
0x5f: {  	_ =	shalt  }
0x60: {  	_ =	shalt  }
0x61: {  	_ =	shalt  }
0x62: {  	_ =	shalt  }
0x63: {  	_ =	shalt  }
0x64: {  	_ =	shalt  }
0x65: {  	_ =	shalt  }
0x66: {  	_ =	shalt  }
0x67: {  	_ =	shalt  }
0x68: {  	_ =	shalt  }
0x69: {  	_ =	shalt  }
0x6a: {  	_ =	shalt  }
0x6b: {  	_ =	shalt  }
0x6c: {  	_ =	shalt  }
0x6d: {  	_ =	shalt  }
0x6e: {  	_ =	shalt  }
0x6f: {  	_ =	shalt  }
0x70: {  	_ =	shalt  }
0x71: {  	_ =	shalt  }
0x72: {  	_ =	shalt  }
0x73: {  	_ =	shalt  }
0x74: {  	_ =	shalt  }
0x75: {  	_ =	shalt  }
0x76: {  	_ =	shalt  }
0x77: {  	_ =	shalt  }
0x78: {  	_ =	shalt  }
0x79: {  	_ =	shalt  }
0x7a: {  	_ =	shalt  }
0x7b: {  	_ =	shalt  }
0x7c: {  	_ =	shalt  }
0x7d: {  	_ =	shalt  }
0x7e: {  	_ =	shalt  }
0x7f: {  	_ =	shalt  }
0x80: {  	_ =	shalt  }
0x81: {  	_ =	shalt  }
0x82: {  	_ =	shalt  }
0x83: {  	_ =	shalt  }
0x84: {  	_ =	shalt  }
0x85: {  	_ =	shalt  }
0x86: {  	_ =	shalt  }
0x87: {  	_ =	shalt  }
.Lfunc_end0:
.L_simem_size_0:
called_computation.1_lowered:
.L_overlay_start_0:
0x88: {  	s2 =	sld [smem:$0x3FD9]  }
0x89: {  	s3 =	sld [smem:$0x3FFE];
	_ =	sdelay $0x1  }
0x8a: {  	s1 =	srdreg.scid  }
0x8b: {  	s0 =	sand.u32 $0x1, s1  }
0x8c: {  	s16 =	sshll.u32 s0, $0xA;
	s2 =	sadd.s32 s3, s2  }
0x8d: {  	s2 =	sadd.s32 s2, s16  }
0x8e: {  	[smem:$0x3FBE] =	sst s2  }
0x8f: {  	_ = 	snop  }
0x90: {  	(tm) =	ssettm $0x1  }
0x91: {  	s17 =	sld [smem:$0x3FFB];
	_ =	sdelay $0x3  }
0x92: {  	_ =	strace s17  }
0x93: {  	s2 =	sld [smem:$0x3FFC];
	_ =	sdelay $0x3  }
0x94: {  	_ =	strace s2  }
0x95: {  	s2 =	sld [smem:$0x3FFD];
	_ =	sdelay $0x3  }
0x96: {  	_ =	strace s2  }
0x97: {  	_ =	strace $0x8FFFFFFF  }
0x98: {  	s18 =	sld [smem:$0x3FDB];
	_ =	sdelay $0x1  }
0x99: {  	s19 =	simm.s32 $_scs_section_size  }
0x9a: {  	s4 =	simm.s32 $_size__tile_overlayer_lowered;
	s5 =	simm.s32 $_tile_overlayer_lowered  }
0x9b: {  	s22 =	simm.s32 $0x1BFF;
	s21 =	sshll.u32 s5, $0x1;
	s2 =	sadd.s32 s19, s18  }
0x9c: {  	s6 =	simm.s32 $0x0;
	s20 =	sshll.u32 s4, $0x1;
	s4 =	sadd.s32 s21, s2  }
0x9d: {  	[timem:s6], [sflag:s22] =	dma.local [hbm:s4], s20  }
0x9e: {  	_ =	swait.ge [sflag:s22], s20  }
0x9f: {  	s3 =	ssub.s32 $0x0, s20;
	[sflag:s22] =	ssyncset.done $0x0  }
0xa0: {  	[sflag:s22] =	ssyncadd.s32 s3;
	_ =	sdelay $0x1  }
0xa1: {  	s23 =	simm.s32 $0x1B8B  }
0xa2: {  	_ =	swait.ge [sflag:s23], $0x1  }
0xa3: {  	[sflag:s23] =	ssyncset.done $0x0  }
0xa4: {  	s25 =	simm.s32 $0x1B8E;
	s24 =	sld [smem:$0x3FFE];
	[sflag:s23] =	ssyncadd.s32 $0xFFFFFFFF  }
0xa5: {  	s26 =	simm.s32 $execute0_lowered;
	[smem:$0x3FD2] =	sst s25  }
0xa6: {  	s4 =	sshll.u32 s26, $0x1;
	_ =	strace $0x80000049;
	[dreg:$0x1] =	wrdreg $0xFFFFFFFF  }
0xa7: {  	s28 =	simm.s32 $_size_execute0_lowered;
	s2 =	sadd.s32 s2, s4;
	[dreg:$0x0] =	wrdreg $0x0  }
0xa8: {  	s4 =	sshll.u32 s28, $0x1;
	[dreg:$0x2] =	wrdreg s2  }
0xa9: {  	[dreg:$0x3] =	wrdreg s4  }
0xaa: {  	[dreg:$0x4] =	wrdreg $0xC0  }
0xab: {  	_ =	task [dreg:s6], $0x5FFFF  }
0xac: {  	[dreg:$0x1] =	wrdreg $0xFFFFFFFF  }
0xad: {  	[dreg:$0x0] =	wrdreg $0x60  }
0xae: {  	[dreg:$0x2] =	wrdreg s24  }
0xaf: {  	[dreg:$0x3] =	wrdreg $0xB2200  }
0xb0: {  	[dreg:$0x4] =	wrdreg $0x9  }
0xb1: {  	_ =	task.clear_ibuf [dreg:s6], $0x5FFFF;
	_ =	strace $0x90000049  }
0xb2: {  	s29 =	simm.s32 $0x9;
	_ =	strace $0x8000004B  }
0xb3: {  	_ =	swait.ge [sflag:s29], $0x1  }
0xb4: {  	[sflag:s29] =	ssyncadd.s32 $0xFFFFFFFF  }
0xb5: {  	_ =	strace $0x9000004B  }
0xb6: {  	_ =	sfence  }
0xb7: {  	s30 =	sld [smem:$0x0];
	_ =	sdelay $0x2  }
0xb8: {  	s31 =	sshll.u32 s1, $0xD;
	s1 =	sshrl.u32 s1, $0x2  }
0xb9: {  	s3 =	sand.u32 $0x4000, s31;
	s1 =	sadd.s32 s1, s30  }
0xba: {  	s0 =	sor.u32 s3, s0;
	s1 =	sshll.u32 s1, $0x11  }
0xbb: {  	s0 =	sor.u32 s1, s0  }
0xbc: {  	s0 =	sadd.s32 $0x8F2B, s0  }
0xbd: {  	[sflag:s0] =	ssyncadd.remote.s32 $0x1  }
0xbe: {  	_ =	sfence.sel $0xFFFF  }
0xbf: {  	[dreg:$0x0] =	wrdreg $0xFFFFFFFF;
	(pc) =	sbr.abs _section_cstart, $3  }
0xc0: {  	[dreg:$0x1] =	wrdreg $0xFFFFFFFF  }
0xc1: {  	_ =	task.clear_ibuf [dreg:s6], $0x2FFFF;
	_ =	strace $0x9FFFFFFF  }
0xc2: {  	(tm) =	ssettm $0x7FFFFFFF  }
0xc3: {  	_ =	shalt  }
tec
execute0_lowered:
.L_overlay_start_1:
0x0: {  	(tag) =	ssettag $0x1  }
0x1: {  	s1 =	rddreg [dreg:$0x0];
	s3 =	srdreg.scid  }
0x2: {  	s0 =	stileid.u32;
	s2 =	rddreg [dreg:$0x1]  }
0x3: {  	s15 =	simm.s32 $0x6;
	s20 =	simm.s32 $0x50;
	s21 =	simm.s32 $0x4E20  }
0x4: {  	s22 =	simm.s32 $0x6220;
	s29 =	simm.s32 $0x9E20;
	s30 =	simm.s32 $0x1  }
0x5: {  	s31 =	simm.s32 $0x2;
	s28 =	simm.s32 $0x4DD0;
	s6 =	sand.u32 $0x1, s3  }
0x6: {  	s4 =	sshll.u32 s0, $0x1;
	s3 =	simm.s32 $0x0;
	s11 =	sadd.s32 $0xC9400, s1  }
0x7: {  	s14 =	sadd.s32 $0x2A400, s1;
	s10 =	smul.u32 $0x28000, s0;
	p0 =	seq.s32 s0, $0xF  }
0x8: {  	p3 =	sne.s32 s0, $0xF;
	s26 =	smul.u32 $0xA000, s0;
	s16 =	sadd.s32 $0x96000, s2  }
0x9: {  	s4 =	sor.u32 s6, s4;
	[smem:$0x7FF] =	sst s3;
	s8 =	ssub.s32 $0x2, s6  }
0xa: {  	p4 =	seq.s32 s6, $0x0;
	p2 =	seq.s32 s6, $0x1;
	s17 =	sshrl.u32 @p0 s16, $0x3  }
0xb: {  	s6 =	simm.s32 $0x5;
	s5 =	smul.u32 $0x4E2, s4;
	_ =	strace $0x8000004A  }
0xc: {  	s4 =	sadd.s32 $0x16A00, s1;
	s24 =	sshrl.u32 s8, $0x1;
	s25 =	sshrl.u32 s10, $0x2  }
0xd: {  	p1 =	por !p4, !p3;
	s13 =	sshrl.u32 s26, $0x3;
	[dreg:$0x3] =	wrdreg s11  }
0xe: {  	p4 =	por !p4, !p0;
	p5 =	por !p3, !p2;
	[dreg:$0x4] =	wrdreg s14  }
0xf: {  	s12 =	sadd.s32 s26, s2;
	[dreg:$0x5] =	wrdreg s16;
	s26 =	simm.s32 $0x8A20  }
0x10: {  	s16 =	simm.s32 $0x4;
	p1 =	por !p1, !p1;
	s11 =	sadd.s32 s11, s13  }
0x11: {  	p3 =	por !p4, !p4;
	p6 =	por !p5, !p5;
	s13 =	sadd.s32 s14, s13  }
.Ltmp0:
0x12: {  	s7 =	sadd.s32 s5, s1;
	s5 =	sadd.s32 $0x51600, s1;
	(pc) =	sbr.rel .LBB2_1-.Ltmp0, $4  }
0x13: {  	s1 =	ssub.s32 s8, s24;
	s24 =	simm.s32 $0x7620;
	p4 =	por !p6, p3  }
0x14: {  	s8 =	sadd.s32 $0xCC00, s7;
	s14 =	smax.u32 s1, $0x1;
	s1 =	sshll.u32 @!p0 s0, $0x6  }
0x15: {  	s9 =	sadd.s32 $0x2E00, s7;
	s7 =	sadd.s32 s25, s2;
	s18 =	sor.u32 @!p0 $0x1C06, s1  }
0x16: {  	s19 =	sshrl.u32 @!p0 s7, $0x3;
	s1 =	simm.s32 $0x3;
	s7 =	simm.s32 $0x0  }
.LBB2_5:
0x17: {  	s7 =	sadd.s32 $0x1, s7  }
0x18: {  	p5 =	sne.s32 s7, s14  }
.Ltmp1:
0x19: {  	_ = 	snop;
	(pc) =	sbr.rel @!p5 .LBB2_6-.Ltmp1, $1  }
0x1a: {  	_ =	sdelay $0x3  }
.LBB2_1:
0x1b: {  	[tilespmem:s3], [sflag:$0x6] =	stream.linear.gather [hbm4b:s8+s3], $0x2710, $0x38;
	[tilespmem:$0x15060] =	vst v63  }
0x1c: {  	_ =	swait.ge [sflag:s15], $0x2710  }
0x1d: {  	[sflag:s15] =	ssyncset.done $0x0  }
0x1e: {  	s10 =	simm.s32 $0x2710;
	[sflag:s15] =	ssyncadd.s32 $0xFFFFD8F0  }
0x1f: {  	[tilespmem:s10], [sflag:$0x6] =	stream.linear.gather [hbm4b:s9+s3], $0x2710, $0x38;
	[tilespmem:$0x15060] =	vst v63  }
0x20: {  	_ =	swait.ge [sflag:s15], $0x2710  }
0x21: {  	[sflag:s15] =	ssyncset.done $0x0  }
0x22: {  	s23 =	simm.s32 @p0 $0x1FC6;
	[sflag:s15] =	ssyncadd.s32 $0xFFFFD8F0  }
0x23: {  	[spmem:s17], [sflag:s23] =	dma.local @p0 [hbm:s5], $0x1080  }
0x24: {  	s23 =	simm.s32 @p0 $0x6  }
0x25: {  	_ =	swait.ge @p0 [sflag:s23], $0x1080  }
0x26: {  	[sflag:s23] =	ssyncset.done @p0 $0x0  }
0x27: {  	[sflag:s23] =	ssyncadd.s32 @p0 $0xFFFFEF80;
	s23 =	simm.s32 @!p0 $0x6  }
0x28: {  	[spmem:s19], [sflag:s18] =	dma.local @!p0 [hbm:s5], $0x1400  }
0x29: {  	_ =	swait.ge @!p0 [sflag:s23], $0x1400  }
0x2a: {  	[sflag:s23] =	ssyncset.done @!p0 $0x0  }
0x2b: {  	[sflag:s23] =	ssyncadd.s32 @!p0 $0xFFFFEC00  }
0x2c: {  	[bflag:$0x0] =	sbarrier.arrive $0xFFFF  }
0x2d: {  	[tilespmem:s21], [sflag:$0x1] =	stream.indirect.gather [hbm4b:s4+s20], $0x40, s3, s20, $0xb8;
	[tilespmem:$0x15060] =	vst v63  }
0x2e: {  	_ = 	snop  }
0x2f: {  	[tilespmem:s22], [sflag:$0x2] =	stream.indirect.gather [hbm4b:s4+s20], $0x40, s20, s20, $0xb8;
	[tilespmem:$0x15060] =	vst v63  }
0x30: {  	s23 =	simm.s32 $0xA0  }
0x31: {  	[tilespmem:s24], [sflag:$0x3] =	stream.indirect.gather [hbm4b:s4+s20], $0x40, s23, s20, $0xb8;
	[tilespmem:$0x15060] =	vst v63  }
0x32: {  	s25 =	simm.s32 $0xF0  }
0x33: {  	[tilespmem:s26], [sflag:$0x4] =	stream.indirect.gather [hbm4b:s4+s20], $0x40, s25, s20, $0xb8;
	[tilespmem:$0x15060] =	vst v63  }
0x34: {  	s23 =	simm.s32 $0x140  }
0x35: {  	[tilespmem:s29], [sflag:$0x5] =	stream.indirect.gather [hbm4b:s4+s20], $0x40, s23, s20, $0xb8;
	[tilespmem:$0x15060] =	vst v63  }
0x36: {  	_ =	swait.ge [sflag:s30], $0x1400  }
0x37: {  	[sflag:s30] =	ssyncset.done $0x0  }
0x38: {  	s25 =	simm.s32 $0x2710;
	[sflag:s30] =	ssyncadd.s32 $0xFFFFEC00  }
0x39: {  	[spmem:s2] =	stream.indirect.scatter.add.f32 [tilespmem:s21], [sflag:$0x6], $0x40, s25, s20, $0xb8;
	[tilespmem:$0x15060] =	vst v63  }
0x3a: {  	_ =	swait.ge [sflag:s15], $0x1400  }
0x3b: {  	[sflag:s15] =	ssyncset.done $0x0  }
0x3c: {  	s10 =	simm.s32 $0x190;
	[sflag:s15] =	ssyncadd.s32 $0xFFFFEC00  }
0x3d: {  	[tilespmem:s21], [sflag:$0x1] =	stream.indirect.gather [hbm4b:s4+s20], $0x40, s10, s20, $0xb8;
	[tilespmem:$0x15060] =	vst v63  }
0x3e: {  	_ =	swait.ge [sflag:s31], $0x1400  }
0x3f: {  	[sflag:s31] =	ssyncset.done $0x0  }
0x40: {  	s25 =	simm.s32 $0x2760;
	[sflag:s31] =	ssyncadd.s32 $0xFFFFEC00  }
0x41: {  	[spmem:s2] =	stream.indirect.scatter.add.f32 [tilespmem:s22], [sflag:$0x6], $0x40, s25, s20, $0xb8;
	[tilespmem:$0x15060] =	vst v63  }
0x42: {  	_ =	swait.ge [sflag:s15], $0x1400  }
0x43: {  	[sflag:s15] =	ssyncset.done $0x0  }
0x44: {  	s10 =	simm.s32 $0x1E0;
	[sflag:s15] =	ssyncadd.s32 $0xFFFFEC00  }
0x45: {  	[tilespmem:s22], [sflag:$0x2] =	stream.indirect.gather [hbm4b:s4+s20], $0x40, s10, s20, $0xb8;
	[tilespmem:$0x15060] =	vst v63  }
0x46: {  	_ =	swait.ge [sflag:s1], $0x1400  }
0x47: {  	[sflag:s1] =	ssyncset.done $0x0  }
0x48: {  	s25 =	simm.s32 $0x27B0;
	[sflag:s1] =	ssyncadd.s32 $0xFFFFEC00  }
0x49: {  	[spmem:s2] =	stream.indirect.scatter.add.f32 [tilespmem:s24], [sflag:$0x6], $0x40, s25, s20, $0xb8;
	[tilespmem:$0x15060] =	vst v63  }
0x4a: {  	_ =	swait.ge [sflag:s15], $0x1400  }
0x4b: {  	[sflag:s15] =	ssyncset.done $0x0  }
0x4c: {  	s10 =	simm.s32 $0x230;
	[sflag:s15] =	ssyncadd.s32 $0xFFFFEC00  }
0x4d: {  	[tilespmem:s24], [sflag:$0x3] =	stream.indirect.gather [hbm4b:s4+s20], $0x40, s10, s20, $0xb8;
	[tilespmem:$0x15060] =	vst v63  }
0x4e: {  	_ =	swait.ge [sflag:s16], $0x1400  }
0x4f: {  	[sflag:s16] =	ssyncset.done $0x0  }
0x50: {  	s25 =	simm.s32 $0x2800;
	[sflag:s16] =	ssyncadd.s32 $0xFFFFEC00  }
0x51: {  	[spmem:s2] =	stream.indirect.scatter.add.f32 [tilespmem:s26], [sflag:$0x6], $0x40, s25, s20, $0xb8;
	[tilespmem:$0x15060] =	vst v63  }
0x52: {  	_ =	swait.ge [sflag:s15], $0x1400  }
0x53: {  	[sflag:s15] =	ssyncset.done $0x0  }
0x54: {  	s10 =	simm.s32 $0x280;
	[sflag:s15] =	ssyncadd.s32 $0xFFFFEC00  }
0x55: {  	[tilespmem:s26], [sflag:$0x4] =	stream.indirect.gather [hbm4b:s4+s20], $0x40, s10, s20, $0xb8;
	[tilespmem:$0x15060] =	vst v63  }
0x56: {  	_ =	swait.ge [sflag:s6], $0x1400  }
0x57: {  	[sflag:s6] =	ssyncset.done $0x0  }
0x58: {  	s25 =	simm.s32 $0x2850;
	[sflag:s6] =	ssyncadd.s32 $0xFFFFEC00  }
0x59: {  	[spmem:s2] =	stream.indirect.scatter.add.f32 [tilespmem:s29], [sflag:$0x6], $0x40, s25, s20, $0xb8;
	[tilespmem:$0x15060] =	vst v63  }
0x5a: {  	_ =	swait.ge [sflag:s15], $0x1400  }
0x5b: {  	[sflag:s15] =	ssyncset.done $0x0  }
0x5c: {  	s23 =	simm.s32 $0x640;
	s25 =	simm.s32 $0x2D0;
	[sflag:s15] =	ssyncadd.s32 $0xFFFFEC00  }
.LBB2_2:
0x5d: {  	[tilespmem:s29], [sflag:$0x5] =	stream.indirect.gather [hbm4b:s4+s20], $0x40, s25, s20, $0xb8;
	[tilespmem:$0x15060] =	vst v63  }
0x5e: {  	s25 =	smov.u32 s23  }
0x5f: {  	p5 =	sne.s32 s23, $0x8FC0;
	s23 =	sadd.s32 $0x640, s23;
	_ =	swait.ge [sflag:s30], $0x1400  }
0x60: {  	s25 =	sshra.s32 s25, $0x2;
	[sflag:s30] =	ssyncset.done $0x0  }
0x61: {  	s10 =	sadd.s32 $0x2710, s25;
	[sflag:s30] =	ssyncadd.s32 $0xFFFFEC00  }
0x62: {  	[spmem:s2] =	stream.indirect.scatter.add.f32 [tilespmem:s21], [sflag:$0x6], $0x40, s10, s20, $0xb8;
	[tilespmem:$0x15060] =	vst v63  }
0x63: {  	_ =	swait.ge [sflag:s15], $0x1400  }
0x64: {  	[sflag:s15] =	ssyncset.done $0x0  }
0x65: {  	s10 =	sadd.s32 $0x190, s25;
	[sflag:s15] =	ssyncadd.s32 $0xFFFFEC00  }
0x66: {  	[tilespmem:s21], [sflag:$0x1] =	stream.indirect.gather [hbm4b:s4+s20], $0x40, s10, s20, $0xb8;
	[tilespmem:$0x15060] =	vst v63  }
0x67: {  	_ =	swait.ge [sflag:s31], $0x1400  }
0x68: {  	[sflag:s31] =	ssyncset.done $0x0  }
0x69: {  	s10 =	sadd.s32 $0x2760, s25;
	[sflag:s31] =	ssyncadd.s32 $0xFFFFEC00  }
0x6a: {  	[spmem:s2] =	stream.indirect.scatter.add.f32 [tilespmem:s22], [sflag:$0x6], $0x40, s10, s20, $0xb8;
	[tilespmem:$0x15060] =	vst v63  }
0x6b: {  	_ =	swait.ge [sflag:s15], $0x1400  }
0x6c: {  	[sflag:s15] =	ssyncset.done $0x0  }
0x6d: {  	s10 =	sadd.s32 $0x1E0, s25;
	[sflag:s15] =	ssyncadd.s32 $0xFFFFEC00  }
0x6e: {  	[tilespmem:s22], [sflag:$0x2] =	stream.indirect.gather [hbm4b:s4+s20], $0x40, s10, s20, $0xb8;
	[tilespmem:$0x15060] =	vst v63  }
0x6f: {  	_ =	swait.ge [sflag:s1], $0x1400  }
0x70: {  	[sflag:s1] =	ssyncset.done $0x0  }
0x71: {  	s10 =	sadd.s32 $0x27B0, s25;
	[sflag:s1] =	ssyncadd.s32 $0xFFFFEC00  }
0x72: {  	[spmem:s2] =	stream.indirect.scatter.add.f32 [tilespmem:s24], [sflag:$0x6], $0x40, s10, s20, $0xb8;
	[tilespmem:$0x15060] =	vst v63  }
0x73: {  	_ =	swait.ge [sflag:s15], $0x1400  }
0x74: {  	[sflag:s15] =	ssyncset.done $0x0  }
0x75: {  	s10 =	sadd.s32 $0x230, s25;
	[sflag:s15] =	ssyncadd.s32 $0xFFFFEC00  }
0x76: {  	[tilespmem:s24], [sflag:$0x3] =	stream.indirect.gather [hbm4b:s4+s20], $0x40, s10, s20, $0xb8;
	[tilespmem:$0x15060] =	vst v63  }
0x77: {  	_ =	swait.ge [sflag:s16], $0x1400  }
0x78: {  	[sflag:s16] =	ssyncset.done $0x0  }
0x79: {  	s10 =	sadd.s32 $0x2800, s25;
	[sflag:s16] =	ssyncadd.s32 $0xFFFFEC00  }
0x7a: {  	[spmem:s2] =	stream.indirect.scatter.add.f32 [tilespmem:s26], [sflag:$0x6], $0x40, s10, s20, $0xb8;
	[tilespmem:$0x15060] =	vst v63  }
0x7b: {  	_ =	swait.ge [sflag:s15], $0x1400  }
0x7c: {  	[sflag:s15] =	ssyncset.done $0x0  }
0x7d: {  	s10 =	sadd.s32 $0x280, s25;
	[sflag:s15] =	ssyncadd.s32 $0xFFFFEC00  }
0x7e: {  	[tilespmem:s26], [sflag:$0x4] =	stream.indirect.gather [hbm4b:s4+s20], $0x40, s10, s20, $0xb8;
	[tilespmem:$0x15060] =	vst v63  }
0x7f: {  	_ =	swait.ge [sflag:s6], $0x1400  }
0x80: {  	[sflag:s6] =	ssyncset.done $0x0  }
.Ltmp2:
0x81: {  	s10 =	sadd.s32 $0x2850, s25;
	[sflag:s6] =	ssyncadd.s32 $0xFFFFEC00;
	(pc) =	sbr.rel @p5 .LBB2_2-.Ltmp2, $4  }
0x82: {  	[spmem:s2] =	stream.indirect.scatter.add.f32 [tilespmem:s29], [sflag:$0x6], $0x40, s10, s20, $0xb8;
	[tilespmem:$0x15060] =	vst v63  }
0x83: {  	_ =	swait.ge [sflag:s15], $0x1400  }
0x84: {  	[sflag:s15] =	ssyncset.done $0x0  }
0x85: {  	s25 =	sadd.s32 $0x2D0, s25;
	[sflag:s15] =	ssyncadd.s32 $0xFFFFEC00  }
0x86: {  	[tilespmem:s29], [sflag:$0x5] =	stream.indirect.gather [hbm4b:s4+s20], $0x40, s25, s20, $0xb8;
	[tilespmem:$0x15060] =	vst v63  }
0x87: {  	_ =	swait.ge [sflag:s30], $0x1400  }
0x88: {  	[sflag:s30] =	ssyncset.done $0x0  }
0x89: {  	s10 =	simm.s32 $0x4C90;
	[sflag:s30] =	ssyncadd.s32 $0xFFFFEC00  }
0x8a: {  	[spmem:s2] =	stream.indirect.scatter.add.f32 [tilespmem:s21], [sflag:$0x6], $0x40, s10, s20, $0xb8;
	[tilespmem:$0x15060] =	vst v63  }
0x8b: {  	_ =	swait.ge [sflag:s15], $0x1400  }
0x8c: {  	[sflag:s15] =	ssyncset.done $0x0  }
0x8d: {  	[sflag:s15] =	ssyncadd.s32 $0xFFFFEC00  }
0x8e: {  	_ =	swait.ge [sflag:s31], $0x1400  }
0x8f: {  	[sflag:s31] =	ssyncset.done $0x0  }
0x90: {  	s25 =	simm.s32 $0x4CE0;
	[sflag:s31] =	ssyncadd.s32 $0xFFFFEC00  }
0x91: {  	[spmem:s2] =	stream.indirect.scatter.add.f32 [tilespmem:s22], [sflag:$0x6], $0x40, s25, s20, $0xb8;
	[tilespmem:$0x15060] =	vst v63  }
0x92: {  	_ =	swait.ge [sflag:s15], $0x1400  }
0x93: {  	[sflag:s15] =	ssyncset.done $0x0  }
0x94: {  	[sflag:s15] =	ssyncadd.s32 $0xFFFFEC00  }
0x95: {  	_ =	swait.ge [sflag:s1], $0x1400  }
0x96: {  	[sflag:s1] =	ssyncset.done $0x0  }
0x97: {  	s23 =	simm.s32 $0x4D30;
	[sflag:s1] =	ssyncadd.s32 $0xFFFFEC00  }
0x98: {  	[spmem:s2] =	stream.indirect.scatter.add.f32 [tilespmem:s24], [sflag:$0x6], $0x40, s23, s20, $0xb8;
	[tilespmem:$0x15060] =	vst v63  }
0x99: {  	_ =	swait.ge [sflag:s15], $0x1400  }
0x9a: {  	[sflag:s15] =	ssyncset.done $0x0  }
0x9b: {  	[sflag:s15] =	ssyncadd.s32 $0xFFFFEC00  }
0x9c: {  	_ =	swait.ge [sflag:s16], $0x1400  }
0x9d: {  	[sflag:s16] =	ssyncset.done $0x0  }
0x9e: {  	s25 =	simm.s32 $0x4D80;
	[sflag:s16] =	ssyncadd.s32 $0xFFFFEC00  }
0x9f: {  	[spmem:s2] =	stream.indirect.scatter.add.f32 [tilespmem:s26], [sflag:$0x6], $0x40, s25, s20, $0xb8;
	[tilespmem:$0x15060] =	vst v63  }
0xa0: {  	_ =	swait.ge [sflag:s15], $0x1400  }
0xa1: {  	[sflag:s15] =	ssyncset.done $0x0  }
0xa2: {  	[sflag:s15] =	ssyncadd.s32 $0xFFFFEC00  }
0xa3: {  	_ =	swait.ge [sflag:s6], $0x1400  }
0xa4: {  	[sflag:s6] =	ssyncset.done $0x0  }
0xa5: {  	[sflag:s6] =	ssyncadd.s32 $0xFFFFEC00  }
0xa6: {  	[spmem:s2] =	stream.indirect.scatter.add.f32 [tilespmem:s29], [sflag:$0x6], $0x40, s28, s20, $0xb8;
	[tilespmem:$0x15060] =	vst v63  }
0xa7: {  	_ =	swait.ge [sflag:s15], $0x1400  }
0xa8: {  	p5 =	por @!p4 $0x1, $0x1;
	p6 =	por p2, p2;
	[sflag:s15] =	ssyncset.done $0x0  }
0xa9: {  	p6 =	por @!p4 p5, p5;
	s10 =	sshll.u32 @p1 s0, $0x6;
	[sflag:s15] =	ssyncadd.s32 $0xFFFFEC00  }
0xaa: {  	s10 =	sor.u32 @p1 $0x1C06, s10;
	s23 =	sshrl.u32 @p1 s12, $0x3;
	[bflag:$0x0] =	sbarrier.arrive $0xFFFF  }
0xab: {  	[hbm:s11], [sflag:s10] =	dma.local @p1 [spmem:s23], $0x1400  }
0xac: {  	p5 =	por @!p3 !p6, !p0;
	s10 =	simm.s32 @p1 $0x6  }
0xad: {  	p5 =	por @!p3 !p5, !p5;
	_ =	swait.ge @p1 [sflag:s10], $0x1400  }
0xae: {  	p5 =	por p3, p5;
	s23 =	sshll.u32 @!p4 s0, $0x6;
	[sflag:s10] =	ssyncset.done @p1 $0x0  }
0xaf: {  	[sflag:s10] =	ssyncadd.s32 @p1 $0xFFFFEC00;
	s10 =	sor.u32 @!p4 $0x1C06, s23;
	s23 =	sshrl.u32 @!p4 s12, $0x3  }
0xb0: {  	[hbm:s13], [sflag:s10] =	dma.local @!p4 [spmem:s23], $0x1400  }
.Ltmp3:
0xb1: {  	_ = 	snop;
	(pc) =	sbr.rel @!p5 .LBB2_5-.Ltmp3, $4  }
0xb2: {  	s10 =	simm.s32 @!p4 $0x6  }
0xb3: {  	_ =	swait.ge @!p4 [sflag:s10], $0x1400  }
0xb4: {  	[sflag:s10] =	ssyncset.done @!p4 $0x0  }
0xb5: {  	[sflag:s10] =	ssyncadd.s32 @!p4 $0xFFFFEC00  }
0xb6: {  	s10 =	rddreg [dreg:$0x4]  }
0xb7: {  	s23 =	rddreg [dreg:$0x3]  }
0xb8: {  	s25 =	rddreg [dreg:$0x5]  }
0xb9: {  	s10 =	smov.u32 @p3 s23;
	s23 =	sshrl.u32 s25, $0x3  }
.Ltmp4:
0xba: {  	s25 =	simm.s32 $0x1FC6;
	s10 =	sadd.s32 $0x12C00, s10;
	(pc) =	sbr.rel .LBB2_5-.Ltmp4, $4  }
0xbb: {  	[hbm:s10], [sflag:s25] =	dma.local [spmem:s23], $0xC80  }
0xbc: {  	_ =	swait.ge [sflag:s15], $0xC80  }
0xbd: {  	[sflag:s15] =	ssyncset.done $0x0  }
0xbe: {  	[sflag:s15] =	ssyncadd.s32 $0xFFFFF380  }
.LBB2_6:
0xbf: {  	_ =	sfence.sel $0x180000  }
0xc0: {  	[bflag:$0x0] =	sbarrier.arrive $0xFFFF  }
0xc1: {  	_ =	strace $0x9000004A  }
0xc2: {  	[bflag:$0x2] =	sbarrier.arrive $0xFFFF  }
0xc3: {  	p0 =	sne.s32 s0, $0x0;
	s0 =	rddreg [dreg:$0x2]  }
0xc4: {  	s0 =	sadd.s32 @!p0 $0x100000, s0  }
0xc5: {  	[sflag:s0] =	ssyncadd.tile.s32 @!p0 $0x1;
	_ =	shalt  }
.Lfunc_end2:
_tile_overlayer_lowered:
.L_overlay_start_2:
0xc6: {  	(tag) =	ssettag $0x2  }
0xc7: {  	s0 =	rddreg [dreg:$0x0];
	s2 =	stileid.u32  }
0xc8: {  	s1 =	rddreg [dreg:$0x1];
	p0 =	sne.s32 s2, $0x0  }
0xc9: {  	s3 =	rddreg [dreg:$0x2];
	[bflag:$0x3] =	sbarrier.arrive $0xFFFF;
	s2 =	simm.s32 @!p0 $0x1C06  }
0xca: {  	[timem:s3], [sflag:s2] =	dma.local @!p0 [hbm:s0], s1  }
0xcb: {  	s0 =	simm.s32 @!p0 $0x6  }
0xcc: {  	_ =	swait.ge @!p0 [sflag:s0], s1  }
0xcd: {  	s1 =	ssub.s32 @!p0 $0x0, s1;
	[sflag:s0] =	ssyncset.done @!p0 $0x0  }
0xce: {  	[sflag:s0] =	ssyncadd.s32 @!p0 s1  }
0xcf: {  	[bflag:$0x3] =	sbarrier.arrive $0xFFFF  }
0xd0: {  	_ =	shalt  }

// kernel: kernel.7.cloned.1.call-start
scs
__scs_entry_jumppad:
0x0: {  	(pc) =	sbr.rel $0x88, $3  }
0x1: {  	(tag) =	ssettag $0x0;
	lr =	simm.s32 $0x1  }
0x2: {  	[smem:$0x3F97] =	sst lr;
	_ =	strace $0xD0000000  }
0x3: {  	_ = 	snop  }
0x4: {  	_ = 	snop  }
0x5: {  	_ = 	snop  }
0x6: {  	_ = 	snop  }
0x7: {  	_ = 	snop  }
__scs_overlays_trampoline_lowered:
0x8: {  	[smem:$0x3FA6] =	sst s0  }
0x9: {  	[smem:$0x3FA7] =	sst s1  }
0xa: {  	[smem:$0x3FA8] =	sst s2  }
0xb: {  	[smem:$0x3FA9] =	sst s3  }
0xc: {  	[smem:$0x3FAA] =	sst s4  }
0xd: {  	[smem:$0x3FAB] =	sst s5  }
0xe: {  	[smem:$0x3FAC] =	sst s6  }
0xf: {  	[smem:$0x3FAD] =	sst s7  }
0x10: {  	[smem:$0x3FAE] =	sst s8  }
0x11: {  	[smem:$0x3FAF] =	sst s9;
	s0 =	simm.s32 @!p0 $0x0  }
0x12: {  	s1 =	sld [smem:$0x3F95];
	s0 =	simm.s32 @p0 $0x1  }
0x13: {  	[smem:$0x3FB0] =	sst s0;
	s0 =	simm.s32 @!p1 $0x0  }
0x14: {  	s2 =	sld [smem:$0x3F94];
	s0 =	simm.s32 @p1 $0x1  }
0x15: {  	[smem:$0x3FB1] =	sst s0;
	s0 =	simm.s32 @!p2 $0x0  }
0x16: {  	s3 =	sld [smem:$0x3FDB];
	s0 =	simm.s32 @p2 $0x1  }
0x17: {  	s4 =	simm.s32 $0x1BF5;
	[smem:$0x3FB3] =	sst s0  }
0x18: {  	s0 =	sld [smem:$0x3F96];
	_ =	swait.ge [sflag:s4], $0x0  }
0x19: {  	s7 =	sld [smem:$0x3F97]  }
0x1a: {  	s8 =	sadd.s32 $0xFFFFE003, lr  }
0x1b: {  	s9 =	sadd.s32 $0xFFFFFEF7, lr;
	s5 =	simm.s32 $0xFFFFFFFF;
	p2 =	slt.u32 s8, $0xFFFFF086  }
0x1c: {  	p1 =	slt.u32 s9, $0xF7A;
	s5 =	simm.s32 @!p2 $0x0  }
0x1d: {  	s5 =	simm.s32 @p1 $0x1;
	p0 =	seq.s32 s7, s2  }
0x1e: {  	s7 =	smul.u32 @!p0 $0xF7A, s2;
	p2 =	seq.s32 @!p0 s5, $0x0  }
0x1f: {  	s9 =	smul.u32 $0xF7A, s1;
	s8 =	simm.s32 @!p0 $0x1BF5;
	p2 =	por !p2, p0  }
0x20: {  	[sflag:s8] =	ssyncset.s32 @!p0 $0xFFFFF086;
	s6 =	sadd.s32 @!p0 s3, s7;
	s7 =	simm.s32 @!p0 $0x108  }
0x21: {  	s3 =	sadd.s32 s3, s9;
	s6 =	sadd.s32 @!p0 $0x88, s6;
	s7 =	simm.s32 @p2 $0x1082  }
0x22: {  	[simem:s7], [sflag:s8] =	dma.local @!p0 [hbm:s6], $0xF7A  }
0x23: {  	s9 =	sor.u32 $0xD0000000, s2;
	s6 =	simm.s32 $0x108;
	_ =	swait.ge @!p0 [sflag:s8], $0x0  }
0x24: {  	s3 =	sadd.s32 $0x88, s3;
	s6 =	simm.s32 @!p1 $0x1082;
	[sflag:s4] =	ssyncset.s32 $0xFFFFF086  }
0x25: {  	[simem:s6], [sflag:s4] =	dma.local [hbm:s3], $0xF7A  }
0x26: {  	[smem:$0x3F97] =	sst s1;
	(tag) =	ssettag s2;
	_ =	strace s9  }
0x27: {  	s1 =	sld [smem:$0x3FA7]  }
0x28: {  	s2 =	sld [smem:$0x3FA8]  }
0x29: {  	s4 =	sld [smem:$0x3FAA]  }
0x2a: {  	p0 =	seq.s32 s5, $0x0;
	s5 =	sld [smem:$0x3FAB]  }
0x2b: {  	s6 =	sld [smem:$0x3FAC]  }
0x2c: {  	s7 =	sld [smem:$0x3FAD]  }
0x2d: {  	s3 =	simm.s32 $0x108;
	s8 =	sld [smem:$0x3FAE]  }
0x2e: {  	s3 =	simm.s32 @!p0 $0x1082;
	s9 =	sld [smem:$0x3FAF]  }
0x2f: {  	lr =	sadd.s32 s0, s3;
	s0 =	sld [smem:$0x3FA6]  }
0x30: {  	s3 =	sld [smem:$0x3FA9]  }
0x31: {  	[smem:$0x3FB2] =	sst s10  }
0x32: {  	s10 =	sld [smem:$0x3FB0];
	_ =	sdelay $0x3  }
0x33: {  	p0 =	seq.s32 s10, $0x1;
	s10 =	sld [smem:$0x3FB2];
	_ =	sdelay $0x3  }
0x34: {  	[smem:$0x3FB2] =	sst s10  }
0x35: {  	s10 =	sld [smem:$0x3FB1];
	_ =	sdelay $0x3  }
0x36: {  	p1 =	seq.s32 s10, $0x1;
	s10 =	sld [smem:$0x3FB2];
	_ =	sdelay $0x3  }
0x37: {  	[smem:$0x3FB2] =	sst s10  }
0x38: {  	s10 =	sld [smem:$0x3FB3]  }
0x39: {  	_ = 	snop;
	(pc) =	sbr.ind lr, $3  }
0x3a: {  	_ = 	snop  }
0x3b: {  	_ = 	snop  }
0x3c: {  	p2 =	seq.s32 s10, $0x1;
	s10 =	sld [smem:$0x3FB2]  }
0x3d: {  	_ =	shalt  }
0x3e: {  	_ =	shalt  }
0x3f: {  	_ =	shalt  }
0x40: {  	_ =	shalt  }
0x41: {  	_ =	shalt  }
0x42: {  	_ =	shalt  }
0x43: {  	_ =	shalt  }
0x44: {  	_ =	shalt  }
0x45: {  	_ =	shalt  }
0x46: {  	_ =	shalt  }
0x47: {  	_ =	shalt  }
0x48: {  	_ =	shalt  }
0x49: {  	_ =	shalt  }
0x4a: {  	_ =	shalt  }
0x4b: {  	_ =	shalt  }
0x4c: {  	_ =	shalt  }
0x4d: {  	_ =	shalt  }
0x4e: {  	_ =	shalt  }
0x4f: {  	_ =	shalt  }
0x50: {  	_ =	shalt  }
0x51: {  	_ =	shalt  }
0x52: {  	_ =	shalt  }
0x53: {  	_ =	shalt  }
0x54: {  	_ =	shalt  }
0x55: {  	_ =	shalt  }
0x56: {  	_ =	shalt  }
0x57: {  	_ =	shalt  }
0x58: {  	_ =	shalt  }
0x59: {  	_ =	shalt  }
0x5a: {  	_ =	shalt  }
0x5b: {  	_ =	shalt  }
0x5c: {  	_ =	shalt  }
0x5d: {  	_ =	shalt  }
0x5e: {  	_ =	shalt  }
0x5f: {  	_ =	shalt  }
0x60: {  	_ =	shalt  }
0x61: {  	_ =	shalt  }
0x62: {  	_ =	shalt  }
0x63: {  	_ =	shalt  }
0x64: {  	_ =	shalt  }
0x65: {  	_ =	shalt  }
0x66: {  	_ =	shalt  }
0x67: {  	_ =	shalt  }
0x68: {  	_ =	shalt  }
0x69: {  	_ =	shalt  }
0x6a: {  	_ =	shalt  }
0x6b: {  	_ =	shalt  }
0x6c: {  	_ =	shalt  }
0x6d: {  	_ =	shalt  }
0x6e: {  	_ =	shalt  }
0x6f: {  	_ =	shalt  }
0x70: {  	_ =	shalt  }
0x71: {  	_ =	shalt  }
0x72: {  	_ =	shalt  }
0x73: {  	_ =	shalt  }
0x74: {  	_ =	shalt  }
0x75: {  	_ =	shalt  }
0x76: {  	_ =	shalt  }
0x77: {  	_ =	shalt  }
0x78: {  	_ =	shalt  }
0x79: {  	_ =	shalt  }
0x7a: {  	_ =	shalt  }
0x7b: {  	_ =	shalt  }
0x7c: {  	_ =	shalt  }
0x7d: {  	_ =	shalt  }
0x7e: {  	_ =	shalt  }
0x7f: {  	_ =	shalt  }
0x80: {  	_ =	shalt  }
0x81: {  	_ =	shalt  }
0x82: {  	_ =	shalt  }
0x83: {  	_ =	shalt  }
0x84: {  	_ =	shalt  }
0x85: {  	_ =	shalt  }
0x86: {  	_ =	shalt  }
0x87: {  	_ =	shalt  }
.Lfunc_end0:
.L_simem_size_0:
called_computation_lowered:
.L_overlay_start_0:
0x88: {  	s2 =	sld [smem:$0x3FD9]  }
0x89: {  	s3 =	sld [smem:$0x3FFE];
	_ =	sdelay $0x1  }
0x8a: {  	s1 =	srdreg.scid  }
0x8b: {  	s0 =	sand.u32 $0x1, s1  }
0x8c: {  	s17 =	sshll.u32 s0, $0xA;
	s2 =	sadd.s32 s3, s2  }
0x8d: {  	s2 =	sadd.s32 s2, s17  }
0x8e: {  	[smem:$0x3FBE] =	sst s2  }
0x8f: {  	_ = 	snop  }
0x90: {  	s2 =	sld [smem:$0x3FD0];
	(tm) =	ssettm $0x1  }
0x91: {  	s18 =	sld [smem:$0x3FFB];
	_ =	sdelay $0x3  }
0x92: {  	_ =	strace s18  }
0x93: {  	s3 =	sld [smem:$0x3FFC];
	_ =	sdelay $0x3  }
0x94: {  	_ =	strace s3  }
0x95: {  	s3 =	sld [smem:$0x3FFD];
	_ =	sdelay $0x3  }
0x96: {  	_ =	strace s3  }
0x97: {  	_ =	strace $0x8FFFFFFF  }
0x98: {  	s19 =	sld [smem:$0x3FDB];
	_ =	sdelay $0x1  }
0x99: {  	s4 =	simm.s32 $_scs_section_size  }
0x9a: {  	s5 =	simm.s32 $_size__tile_overlayer_lowered;
	s6 =	simm.s32 $_tile_overlayer_lowered  }
0x9b: {  	s22 =	simm.s32 $0x1BFF;
	s21 =	sshll.u32 s6, $0x1;
	s3 =	sadd.s32 s4, s19  }
0x9c: {  	s7 =	simm.s32 $0x0;
	s20 =	sshll.u32 s5, $0x1;
	s5 =	sadd.s32 s21, s3  }
0x9d: {  	[timem:s7], [sflag:s22] =	dma.local [hbm:s5], s20  }
0x9e: {  	_ =	swait.ge [sflag:s22], s20  }
0x9f: {  	s4 =	ssub.s32 $0x0, s20;
	[sflag:s22] =	ssyncset.done $0x0  }
0xa0: {  	[sflag:s22] =	ssyncadd.s32 s4;
	_ =	sdelay $0x1  }
0xa1: {  	s23 =	simm.s32 $0x1B8B  }
0xa2: {  	_ =	swait.ge [sflag:s23], $0x1  }
0xa3: {  	[sflag:s23] =	ssyncset.done $0x0  }
0xa4: {  	s25 =	simm.s32 $0x1B8E;
	s24 =	sld [smem:$0x3FFE];
	[sflag:s23] =	ssyncadd.s32 $0xFFFFFFFF  }
0xa5: {  	s26 =	simm.s32 $execute0_lowered;
	[smem:$0x3FD2] =	sst s25  }
0xa6: {  	s5 =	sshll.u32 s26, $0x1;
	_ =	strace $0x80000046;
	[dreg:$0x1] =	wrdreg $0xFFFFFFFF  }
0xa7: {  	s28 =	simm.s32 $_size_execute0_lowered;
	s3 =	sadd.s32 s3, s5;
	[dreg:$0x0] =	wrdreg $0x0  }
0xa8: {  	s5 =	sshll.u32 s28, $0x1;
	[dreg:$0x2] =	wrdreg s3  }
0xa9: {  	[dreg:$0x3] =	wrdreg s5  }
0xaa: {  	[dreg:$0x4] =	wrdreg $0xC0  }
0xab: {  	_ =	task [dreg:s7], $0x5FFFF  }
0xac: {  	[dreg:$0x1] =	wrdreg $0xFFFFFFFF  }
0xad: {  	[dreg:$0x0] =	wrdreg $0x60  }
0xae: {  	[dreg:$0x2] =	wrdreg s24  }
0xaf: {  	[dreg:$0x3] =	wrdreg s2  }
0xb0: {  	[dreg:$0x4] =	wrdreg $0xB2700  }
0xb1: {  	[dreg:$0x5] =	wrdreg $0x150B00  }
0xb2: {  	[dreg:$0x6] =	wrdreg $0x9  }
0xb3: {  	_ =	task.clear_ibuf [dreg:s7], $0x7FFFF;
	_ =	strace $0x90000046  }
0xb4: {  	s29 =	simm.s32 $0x9;
	_ =	strace $0x80000048  }
0xb5: {  	_ =	swait.ge [sflag:s29], $0x1  }
0xb6: {  	[sflag:s29] =	ssyncadd.s32 $0xFFFFFFFF  }
0xb7: {  	_ =	strace $0x90000048  }
0xb8: {  	_ =	sfence  }
0xb9: {  	s30 =	sld [smem:$0x0];
	_ =	sdelay $0x2  }
0xba: {  	s31 =	sshll.u32 s1, $0xD;
	s1 =	sshrl.u32 s1, $0x2  }
0xbb: {  	s3 =	sand.u32 $0x4000, s31;
	s1 =	sadd.s32 s1, s30  }
0xbc: {  	s0 =	sor.u32 s3, s0;
	s1 =	sshll.u32 s1, $0x11  }
0xbd: {  	s0 =	sor.u32 s1, s0  }
0xbe: {  	s0 =	sadd.s32 $0x8F2B, s0  }
0xbf: {  	[sflag:s0] =	ssyncadd.remote.s32 $0x1  }
0xc0: {  	_ =	sfence.sel $0xFFFF  }
0xc1: {  	[dreg:$0x0] =	wrdreg $0xFFFFFFFF;
	(pc) =	sbr.abs _section_cstart, $3  }
0xc2: {  	[dreg:$0x1] =	wrdreg $0xFFFFFFFF  }
0xc3: {  	_ =	task.clear_ibuf [dreg:s7], $0x2FFFF;
	_ =	strace $0x9FFFFFFF  }
0xc4: {  	(tm) =	ssettm $0x7FFFFFFF  }
0xc5: {  	_ =	shalt  }
tec
execute0_lowered:
.L_overlay_start_1:
0x0: {  	(tag) =	ssettag $0x1  }
0x1: {  	s0 =	rddreg [dreg:$0x0]  }
0x2: {  	s2 =	srdreg.scid;
	s3 =	rddreg [dreg:$0x2]  }
0x3: {  	s1 =	stileid.u32;
	s4 =	rddreg [dreg:$0x3]  }
0x4: {  	s29 =	simm.s32 $0x7620;
	s31 =	simm.s32 $0x8A20;
	s28 =	simm.s32 $0x3  }
0x5: {  	s30 =	simm.s32 $0x4;
	s14 =	simm.s32 $0x0;
	s2 =	sand.u32 $0x1, s2  }
0x6: {  	s5 =	sshll.u32 s1, $0x1;
	s9 =	sadd.s32 $0x52A00, s0;
	s11 =	sadd.s32 $0x67600, s0  }
0x7: {  	s12 =	sadd.s32 $0x53C00, s0;
	s13 =	sadd.s32 $0x53000, s0;
	s23 =	smul.u32 $0x28000, s1  }
0x8: {  	p0 =	seq.s32 s1, $0xF;
	p2 =	sne.s32 s1, $0xF;
	s24 =	smul.u32 $0xA000, s1  }
0x9: {  	s15 =	sadd.s32 $0x96000, s3;
	s6 =	sor.u32 s2, s5;
	s5 =	simm.s32 $0x0  }
0xa: {  	s20 =	ssub.s32 $0x2, s2;
	p3 =	seq.s32 s2, $0x0;
	p4 =	seq.s32 s2, $0x1  }
0xb: {  	s2 =	sor.u32 s1, s2;
	s7 =	smul.u32 $0x4E2, s6;
	[smem:$0x7FF] =	sst s5  }
0xc: {  	s6 =	sadd.s32 $0x3DC00, s0;
	s10 =	sshrl.u32 s20, $0x1;
	p1 =	por !p3, !p2  }
0xd: {  	s25 =	sshrl.u32 s24, $0x3;
	s17 =	sadd.s32 s24, s3;
	p3 =	por !p3, !p0  }
0xe: {  	p2 =	por !p2, !p4;
	s24 =	simm.s32 $0x50;
	p5 =	sne.s32 s2, $0x0  }
0xf: {  	s2 =	simm.s32 $0x4C90;
	_ =	strace $0x80000047;
	[dreg:$0x5] =	wrdreg s9  }
0x10: {  	[dreg:$0x8] =	wrdreg s13;
	s21 =	ssub.s32 s20, s10;
	p1 =	por !p1, !p1  }
0x11: {  	[dreg:$0x6] =	wrdreg s11;
	s11 =	sadd.s32 s11, s25;
	s9 =	simm.s32 @!p4 $0x0  }
0x12: {  	p2 =	por !p2, !p2;
	[dreg:$0x7] =	wrdreg s12;
	s26 =	sadd.s32 s12, s25  }
0x13: {  	s20 =	simm.s32 $0x6;
	s25 =	simm.s32 $0x4E20;
	s10 =	simm.s32 $0x5  }
0x14: {  	s12 =	simm.s32 $0x4D80;
	s8 =	sadd.s32 s7, s0;
	s7 =	sadd.s32 $0x51600, s0  }
0x15: {  	s0 =	sadd.s32 $0x53600, s0;
	s13 =	simm.s32 @!p1 $0x0;
	[dreg:$0xc] =	wrdreg s11  }
0x16: {  	s9 =	simm.s32 @p4 $0x1;
	[dreg:$0xd] =	wrdreg s26;
	p4 =	sne.s32 s1, $0x0  }
0x17: {  	s26 =	simm.s32 $0x6220;
	s11 =	simm.s32 $0x4D30;
	[dreg:$0x9] =	wrdreg s0  }
0x18: {  	s22 =	sadd.s32 $0xCC00, s8;
	s8 =	sadd.s32 $0x2E00, s8;
	[smem:$0x7FC] =	sst s9  }
0x19: {  	s13 =	simm.s32 @p1 $0x1;
	p1 =	por !p3, !p3;
	[dreg:$0xa] =	wrdreg s22  }
0x1a: {  	s0 =	smax.u32 s21, $0x1;
	s21 =	simm.s32 $0x1;
	[dreg:$0xb] =	wrdreg s8  }
.Ltmp0:
0x1b: {  	s9 =	simm.s32 $0x2;
	[smem:$0x7FB] =	sst s13;
	(pc) =	sbr.rel .LBB2_1-.Ltmp0, $4  }
0x1c: {  	s8 =	sshrl.u32 s23, $0x2;
	[dreg:$0xe] =	wrdreg s0;
	s23 =	simm.s32 $0xB220  }
0x1d: {  	s0 =	simm.s32 @!p1 $0x0;
	p6 =	por !p2, p1;
	s8 =	sadd.s32 s8, s3  }
0x1e: {  	s13 =	simm.s32 $0x4DD0;
	s0 =	simm.s32 @p1 $0x1;
	s22 =	sshrl.u32 @!p0 s8, $0x3  }
0x1f: {  	[smem:$0x7FD] =	sst s0;
	s0 =	simm.s32 $0x9E20;
	s8 =	simm.s32 $0x4CE0  }
.LBB2_5:
0x20: {  	s16 =	sshll.u32 @!p5 s1, $0x6  }
0x21: {  	s18 =	sshrl.u32 @!p5 s4, $0x3;
	s19 =	rddreg [dreg:$0x8];
	s16 =	sor.u32 @!p5 $0x1C06, s16  }
0x22: {  	[hbm:s19], [sflag:s16] =	dma.local @!p5 [spmem:s18], $0x4E2  }
0x23: {  	p2 =	por !p2, !p2;
	s16 =	simm.s32 @!p5 $0x6  }
0x24: {  	p2 =	por p4, p2;
	_ =	swait.ge @!p5 [sflag:s16], $0x4E2  }
0x25: {  	s18 =	simm.s32 @!p2 $0x1C06;
	[sflag:s16] =	ssyncset.done @!p5 $0x0  }
0x26: {  	s19 =	rddreg [dreg:$0x9];
	[sflag:s16] =	ssyncadd.s32 @!p5 $0xFFFFFB1E;
	s16 =	sshrl.u32 @!p2 s4, $0x3  }
0x27: {  	[hbm:s19], [sflag:s18] =	dma.local @!p2 [spmem:s16], $0x4E2  }
0x28: {  	s16 =	simm.s32 @!p2 $0x6  }
0x29: {  	_ =	swait.ge @!p2 [sflag:s16], $0x4E2  }
0x2a: {  	s14 =	sadd.s32 $0x1, s14;
	s19 =	rddreg [dreg:$0xe]  }
0x2b: {  	p3 =	sne.s32 s14, s19  }
.Ltmp1:
0x2c: {  	_ = 	snop;
	(pc) =	sbr.rel @!p3 .LBB2_6-.Ltmp1, $3  }
0x2d: {  	_ =	sdelay $0x1  }
0x2e: {  	[sflag:s16] =	ssyncset.done @!p2 $0x0  }
0x2f: {  	[sflag:s16] =	ssyncadd.s32 @!p2 $0xFFFFFB1E  }
.LBB2_1:
0x30: {  	s16 =	rddreg [dreg:$0xa]  }
0x31: {  	[tilespmem:s5], [sflag:$0x6] =	stream.linear.gather [hbm4b:s16+s5], $0x2710, $0x38;
	[tilespmem:$0x15330] =	vst v63  }
0x32: {  	_ =	swait.ge [sflag:s20], $0x2710  }
0x33: {  	[sflag:s20] =	ssyncset.done $0x0  }
0x34: {  	s18 =	simm.s32 $0x2710;
	s19 =	rddreg [dreg:$0xb];
	[sflag:s20] =	ssyncadd.s32 $0xFFFFD8F0  }
0x35: {  	[tilespmem:s18], [sflag:$0x6] =	stream.linear.gather [hbm4b:s19+s5], $0x2710, $0x38;
	[tilespmem:$0x15330] =	vst v63  }
0x36: {  	_ =	swait.ge [sflag:s20], $0x2710  }
0x37: {  	[sflag:s20] =	ssyncset.done $0x0  }
0x38: {  	s16 =	sshrl.u32 @p0 s15, $0x3;
	s18 =	simm.s32 @p0 $0x1FC6;
	[sflag:s20] =	ssyncadd.s32 $0xFFFFD8F0  }
0x39: {  	[spmem:s16], [sflag:s18] =	dma.local @p0 [hbm:s7], $0x1080  }
0x3a: {  	s16 =	simm.s32 @p0 $0x6  }
0x3b: {  	_ =	swait.ge @p0 [sflag:s16], $0x1080  }
0x3c: {  	s18 =	sshll.u32 @!p0 s1, $0x6;
	[sflag:s16] =	ssyncset.done @p0 $0x0  }
0x3d: {  	[sflag:s16] =	ssyncadd.s32 @p0 $0xFFFFEF80;
	s16 =	sor.u32 @!p0 $0x1C06, s18  }
0x3e: {  	[spmem:s22], [sflag:s16] =	dma.local @!p0 [hbm:s7], $0x1400  }
0x3f: {  	s16 =	simm.s32 @!p0 $0x6  }
0x40: {  	_ =	swait.ge @!p0 [sflag:s16], $0x1400  }
0x41: {  	[sflag:s16] =	ssyncset.done @!p0 $0x0  }
0x42: {  	[sflag:s16] =	ssyncadd.s32 @!p0 $0xFFFFEC00  }
0x43: {  	s16 =	rddreg [dreg:$0x1]  }
0x44: {  	[tilespmem:s23], [sflag:$0x6] =	stream.linear.gather [hbm4b:s16+s5], $0x50, $0x38;
	[tilespmem:$0x15330] =	vst v63  }
0x45: {  	_ =	swait.ge [sflag:s20], $0x50  }
0x46: {  	s18 =	simm.s32 @!p4 $0x1C06;
	[sflag:s20] =	ssyncset.done $0x0  }
0x47: {  	s16 =	sshrl.u32 @!p4 s4, $0x3;
	s19 =	rddreg [dreg:$0x5];
	[sflag:s20] =	ssyncadd.s32 $0xFFFFFFB0  }
0x48: {  	[spmem:s16], [sflag:s18] =	dma.local @!p4 [hbm:s19], $0x4F2  }
0x49: {  	s16 =	simm.s32 @!p4 $0x6  }
0x4a: {  	_ =	swait.ge @!p4 [sflag:s16], $0x4F2  }
0x4b: {  	[sflag:s16] =	ssyncset.done @!p4 $0x0  }
0x4c: {  	[sflag:s16] =	ssyncadd.s32 @!p4 $0xFFFFFB0E  }
0x4d: {  	[bflag:$0x0] =	sbarrier.arrive $0xFFFF  }
0x4e: {  	[tilespmem:s25], [sflag:$0x1] =	stream.indirect.gather [hbm4b:s6+s24], $0x40, s5, s24, $0xb8;
	[tilespmem:$0x15330] =	vst v63  }
0x4f: {  	_ = 	snop  }
0x50: {  	[tilespmem:s26], [sflag:$0x2] =	stream.indirect.gather [hbm4b:s6+s24], $0x40, s24, s24, $0xb8;
	[tilespmem:$0x15330] =	vst v63  }
0x51: {  	s18 =	simm.s32 $0xA0  }
0x52: {  	[tilespmem:s29], [sflag:$0x3] =	stream.indirect.gather [hbm4b:s6+s24], $0x40, s18, s24, $0xb8;
	[tilespmem:$0x15330] =	vst v63  }
0x53: {  	s19 =	simm.s32 $0xF0  }
0x54: {  	[tilespmem:s31], [sflag:$0x4] =	stream.indirect.gather [hbm4b:s6+s24], $0x40, s19, s24, $0xb8;
	[tilespmem:$0x15330] =	vst v63  }
0x55: {  	s18 =	simm.s32 $0x140  }
0x56: {  	[tilespmem:s0], [sflag:$0x5] =	stream.indirect.gather [hbm4b:s6+s24], $0x40, s18, s24, $0xb8;
	[tilespmem:$0x15330] =	vst v63  }
0x57: {  	_ =	swait.ge [sflag:s21], $0x1400  }
0x58: {  	[sflag:s21] =	ssyncset.done $0x0  }
0x59: {  	s19 =	simm.s32 $0x2710;
	[sflag:s21] =	ssyncadd.s32 $0xFFFFEC00  }
0x5a: {  	[spmem:s3] =	stream.indirect.scatter.add.f32 [tilespmem:s25], [sflag:$0x6], $0x40, s19, s24, $0xb8;
	[tilespmem:$0x15330] =	vst v63  }
0x5b: {  	_ =	swait.ge [sflag:s20], $0x1400  }
0x5c: {  	[sflag:s20] =	ssyncset.done $0x0  }
0x5d: {  	[sflag:s20] =	ssyncadd.s32 $0xFFFFEC00  }
0x5e: {  	[spmem:s4] =	stream.indirect.scatter.add.f32 [tilespmem:s23], [sflag:$0x6], $0x1, s19, s24, $0xb8;
	[tilespmem:$0x15330] =	vst v63  }
0x5f: {  	_ =	swait.ge [sflag:s20], $0x50  }
0x60: {  	[sflag:s20] =	ssyncset.done $0x0  }
0x61: {  	s18 =	simm.s32 $0x190;
	[sflag:s20] =	ssyncadd.s32 $0xFFFFFFB0  }
0x62: {  	[tilespmem:s25], [sflag:$0x1] =	stream.indirect.gather [hbm4b:s6+s24], $0x40, s18, s24, $0xb8;
	[tilespmem:$0x15330] =	vst v63  }
0x63: {  	_ =	swait.ge [sflag:s9], $0x1400  }
0x64: {  	[sflag:s9] =	ssyncset.done $0x0  }
0x65: {  	s19 =	simm.s32 $0x2760;
	[sflag:s9] =	ssyncadd.s32 $0xFFFFEC00  }
0x66: {  	[spmem:s3] =	stream.indirect.scatter.add.f32 [tilespmem:s26], [sflag:$0x6], $0x40, s19, s24, $0xb8;
	[tilespmem:$0x15330] =	vst v63  }
0x67: {  	_ =	swait.ge [sflag:s20], $0x1400  }
0x68: {  	[sflag:s20] =	ssyncset.done $0x0  }
0x69: {  	[sflag:s20] =	ssyncadd.s32 $0xFFFFEC00  }
0x6a: {  	[spmem:s4] =	stream.indirect.scatter.add.f32 [tilespmem:s23], [sflag:$0x6], $0x1, s19, s24, $0xb8;
	[tilespmem:$0x15330] =	vst v63  }
0x6b: {  	_ =	swait.ge [sflag:s20], $0x50  }
0x6c: {  	[sflag:s20] =	ssyncset.done $0x0  }
0x6d: {  	s18 =	simm.s32 $0x1E0;
	[sflag:s20] =	ssyncadd.s32 $0xFFFFFFB0  }
0x6e: {  	[tilespmem:s26], [sflag:$0x2] =	stream.indirect.gather [hbm4b:s6+s24], $0x40, s18, s24, $0xb8;
	[tilespmem:$0x15330] =	vst v63  }
0x6f: {  	_ =	swait.ge [sflag:s28], $0x1400  }
0x70: {  	[sflag:s28] =	ssyncset.done $0x0  }
0x71: {  	s19 =	simm.s32 $0x27B0;
	[sflag:s28] =	ssyncadd.s32 $0xFFFFEC00  }
0x72: {  	[spmem:s3] =	stream.indirect.scatter.add.f32 [tilespmem:s29], [sflag:$0x6], $0x40, s19, s24, $0xb8;
	[tilespmem:$0x15330] =	vst v63  }
0x73: {  	_ =	swait.ge [sflag:s20], $0x1400  }
0x74: {  	[sflag:s20] =	ssyncset.done $0x0  }
0x75: {  	[sflag:s20] =	ssyncadd.s32 $0xFFFFEC00  }
0x76: {  	[spmem:s4] =	stream.indirect.scatter.add.f32 [tilespmem:s23], [sflag:$0x6], $0x1, s19, s24, $0xb8;
	[tilespmem:$0x15330] =	vst v63  }
0x77: {  	_ =	swait.ge [sflag:s20], $0x50  }
0x78: {  	[sflag:s20] =	ssyncset.done $0x0  }
0x79: {  	s18 =	simm.s32 $0x230;
	[sflag:s20] =	ssyncadd.s32 $0xFFFFFFB0  }
0x7a: {  	[tilespmem:s29], [sflag:$0x3] =	stream.indirect.gather [hbm4b:s6+s24], $0x40, s18, s24, $0xb8;
	[tilespmem:$0x15330] =	vst v63  }
0x7b: {  	_ =	swait.ge [sflag:s30], $0x1400  }
0x7c: {  	[sflag:s30] =	ssyncset.done $0x0  }
0x7d: {  	s19 =	simm.s32 $0x2800;
	[sflag:s30] =	ssyncadd.s32 $0xFFFFEC00  }
0x7e: {  	[spmem:s3] =	stream.indirect.scatter.add.f32 [tilespmem:s31], [sflag:$0x6], $0x40, s19, s24, $0xb8;
	[tilespmem:$0x15330] =	vst v63  }
0x7f: {  	_ =	swait.ge [sflag:s20], $0x1400  }
0x80: {  	[sflag:s20] =	ssyncset.done $0x0  }
0x81: {  	[sflag:s20] =	ssyncadd.s32 $0xFFFFEC00  }
0x82: {  	[spmem:s4] =	stream.indirect.scatter.add.f32 [tilespmem:s23], [sflag:$0x6], $0x1, s19, s24, $0xb8;
	[tilespmem:$0x15330] =	vst v63  }
0x83: {  	_ =	swait.ge [sflag:s20], $0x50  }
0x84: {  	[sflag:s20] =	ssyncset.done $0x0  }
0x85: {  	s18 =	simm.s32 $0x280;
	[sflag:s20] =	ssyncadd.s32 $0xFFFFFFB0  }
0x86: {  	[tilespmem:s31], [sflag:$0x4] =	stream.indirect.gather [hbm4b:s6+s24], $0x40, s18, s24, $0xb8;
	[tilespmem:$0x15330] =	vst v63  }
0x87: {  	_ =	swait.ge [sflag:s10], $0x1400  }
0x88: {  	[sflag:s10] =	ssyncset.done $0x0  }
0x89: {  	s19 =	simm.s32 $0x2850;
	[sflag:s10] =	ssyncadd.s32 $0xFFFFEC00  }
0x8a: {  	[spmem:s3] =	stream.indirect.scatter.add.f32 [tilespmem:s0], [sflag:$0x6], $0x40, s19, s24, $0xb8;
	[tilespmem:$0x15330] =	vst v63  }
0x8b: {  	_ =	swait.ge [sflag:s20], $0x1400  }
0x8c: {  	[sflag:s20] =	ssyncset.done $0x0  }
0x8d: {  	[sflag:s20] =	ssyncadd.s32 $0xFFFFEC00  }
0x8e: {  	[spmem:s4] =	stream.indirect.scatter.add.f32 [tilespmem:s23], [sflag:$0x6], $0x1, s19, s24, $0xb8;
	[tilespmem:$0x15330] =	vst v63  }
0x8f: {  	_ =	swait.ge [sflag:s20], $0x50  }
0x90: {  	[sflag:s20] =	ssyncset.done $0x0  }
0x91: {  	s16 =	simm.s32 $0x640;
	s18 =	simm.s32 $0x2D0;
	[sflag:s20] =	ssyncadd.s32 $0xFFFFFFB0  }
.LBB2_2:
0x92: {  	[tilespmem:s0], [sflag:$0x5] =	stream.indirect.gather [hbm4b:s6+s24], $0x40, s18, s24, $0xb8;
	[tilespmem:$0x15330] =	vst v63  }
0x93: {  	s18 =	smov.u32 s16  }
0x94: {  	p2 =	sne.s32 s16, $0x8FC0;
	s16 =	sadd.s32 $0x640, s16;
	_ =	swait.ge [sflag:s21], $0x1400  }
0x95: {  	s18 =	sshra.s32 s18, $0x2;
	[sflag:s21] =	ssyncset.done $0x0  }
0x96: {  	s19 =	sadd.s32 $0x2710, s18;
	[sflag:s21] =	ssyncadd.s32 $0xFFFFEC00  }
0x97: {  	[spmem:s3] =	stream.indirect.scatter.add.f32 [tilespmem:s25], [sflag:$0x6], $0x40, s19, s24, $0xb8;
	[tilespmem:$0x15330] =	vst v63  }
0x98: {  	_ =	swait.ge [sflag:s20], $0x1400  }
0x99: {  	[sflag:s20] =	ssyncset.done $0x0  }
0x9a: {  	[sflag:s20] =	ssyncadd.s32 $0xFFFFEC00  }
0x9b: {  	[spmem:s4] =	stream.indirect.scatter.add.f32 [tilespmem:s23], [sflag:$0x6], $0x1, s19, s24, $0xb8;
	[tilespmem:$0x15330] =	vst v63  }
0x9c: {  	_ =	swait.ge [sflag:s20], $0x50  }
0x9d: {  	[sflag:s20] =	ssyncset.done $0x0  }
0x9e: {  	s19 =	sadd.s32 $0x190, s18;
	[sflag:s20] =	ssyncadd.s32 $0xFFFFFFB0  }
0x9f: {  	[tilespmem:s25], [sflag:$0x1] =	stream.indirect.gather [hbm4b:s6+s24], $0x40, s19, s24, $0xb8;
	[tilespmem:$0x15330] =	vst v63  }
0xa0: {  	_ =	swait.ge [sflag:s9], $0x1400  }
0xa1: {  	[sflag:s9] =	ssyncset.done $0x0  }
0xa2: {  	s19 =	sadd.s32 $0x2760, s18;
	[sflag:s9] =	ssyncadd.s32 $0xFFFFEC00  }
0xa3: {  	[spmem:s3] =	stream.indirect.scatter.add.f32 [tilespmem:s26], [sflag:$0x6], $0x40, s19, s24, $0xb8;
	[tilespmem:$0x15330] =	vst v63  }
0xa4: {  	_ =	swait.ge [sflag:s20], $0x1400  }
0xa5: {  	[sflag:s20] =	ssyncset.done $0x0  }
0xa6: {  	[sflag:s20] =	ssyncadd.s32 $0xFFFFEC00  }
0xa7: {  	[spmem:s4] =	stream.indirect.scatter.add.f32 [tilespmem:s23], [sflag:$0x6], $0x1, s19, s24, $0xb8;
	[tilespmem:$0x15330] =	vst v63  }
0xa8: {  	_ =	swait.ge [sflag:s20], $0x50  }
0xa9: {  	[sflag:s20] =	ssyncset.done $0x0  }
0xaa: {  	s19 =	sadd.s32 $0x1E0, s18;
	[sflag:s20] =	ssyncadd.s32 $0xFFFFFFB0  }
0xab: {  	[tilespmem:s26], [sflag:$0x2] =	stream.indirect.gather [hbm4b:s6+s24], $0x40, s19, s24, $0xb8;
	[tilespmem:$0x15330] =	vst v63  }
0xac: {  	_ =	swait.ge [sflag:s28], $0x1400  }
0xad: {  	[sflag:s28] =	ssyncset.done $0x0  }
0xae: {  	s19 =	sadd.s32 $0x27B0, s18;
	[sflag:s28] =	ssyncadd.s32 $0xFFFFEC00  }
0xaf: {  	[spmem:s3] =	stream.indirect.scatter.add.f32 [tilespmem:s29], [sflag:$0x6], $0x40, s19, s24, $0xb8;
	[tilespmem:$0x15330] =	vst v63  }
0xb0: {  	_ =	swait.ge [sflag:s20], $0x1400  }
0xb1: {  	[sflag:s20] =	ssyncset.done $0x0  }
0xb2: {  	[sflag:s20] =	ssyncadd.s32 $0xFFFFEC00  }
0xb3: {  	[spmem:s4] =	stream.indirect.scatter.add.f32 [tilespmem:s23], [sflag:$0x6], $0x1, s19, s24, $0xb8;
	[tilespmem:$0x15330] =	vst v63  }
0xb4: {  	_ =	swait.ge [sflag:s20], $0x50  }
0xb5: {  	[sflag:s20] =	ssyncset.done $0x0  }
0xb6: {  	s19 =	sadd.s32 $0x230, s18;
	[sflag:s20] =	ssyncadd.s32 $0xFFFFFFB0  }
0xb7: {  	[tilespmem:s29], [sflag:$0x3] =	stream.indirect.gather [hbm4b:s6+s24], $0x40, s19, s24, $0xb8;
	[tilespmem:$0x15330] =	vst v63  }
0xb8: {  	_ =	swait.ge [sflag:s30], $0x1400  }
0xb9: {  	[sflag:s30] =	ssyncset.done $0x0  }
0xba: {  	s19 =	sadd.s32 $0x2800, s18;
	[sflag:s30] =	ssyncadd.s32 $0xFFFFEC00  }
0xbb: {  	[spmem:s3] =	stream.indirect.scatter.add.f32 [tilespmem:s31], [sflag:$0x6], $0x40, s19, s24, $0xb8;
	[tilespmem:$0x15330] =	vst v63  }
0xbc: {  	_ =	swait.ge [sflag:s20], $0x1400  }
0xbd: {  	[sflag:s20] =	ssyncset.done $0x0  }
0xbe: {  	[sflag:s20] =	ssyncadd.s32 $0xFFFFEC00  }
0xbf: {  	[spmem:s4] =	stream.indirect.scatter.add.f32 [tilespmem:s23], [sflag:$0x6], $0x1, s19, s24, $0xb8;
	[tilespmem:$0x15330] =	vst v63  }
0xc0: {  	_ =	swait.ge [sflag:s20], $0x50  }
0xc1: {  	[sflag:s20] =	ssyncset.done $0x0  }
0xc2: {  	s19 =	sadd.s32 $0x280, s18;
	[sflag:s20] =	ssyncadd.s32 $0xFFFFFFB0  }
0xc3: {  	[tilespmem:s31], [sflag:$0x4] =	stream.indirect.gather [hbm4b:s6+s24], $0x40, s19, s24, $0xb8;
	[tilespmem:$0x15330] =	vst v63  }
0xc4: {  	_ =	swait.ge [sflag:s10], $0x1400  }
0xc5: {  	[sflag:s10] =	ssyncset.done $0x0  }
0xc6: {  	s19 =	sadd.s32 $0x2850, s18;
	[sflag:s10] =	ssyncadd.s32 $0xFFFFEC00  }
0xc7: {  	[spmem:s3] =	stream.indirect.scatter.add.f32 [tilespmem:s0], [sflag:$0x6], $0x40, s19, s24, $0xb8;
	[tilespmem:$0x15330] =	vst v63  }
0xc8: {  	_ =	swait.ge [sflag:s20], $0x1400  }
0xc9: {  	[sflag:s20] =	ssyncset.done $0x0  }
.Ltmp2:
0xca: {  	[sflag:s20] =	ssyncadd.s32 $0xFFFFEC00;
	(pc) =	sbr.rel @p2 .LBB2_2-.Ltmp2, $4  }
0xcb: {  	[spmem:s4] =	stream.indirect.scatter.add.f32 [tilespmem:s23], [sflag:$0x6], $0x1, s19, s24, $0xb8;
	[tilespmem:$0x15330] =	vst v63  }
0xcc: {  	_ =	swait.ge [sflag:s20], $0x50  }
0xcd: {  	[sflag:s20] =	ssyncset.done $0x0  }
0xce: {  	s18 =	sadd.s32 $0x2D0, s18;
	[sflag:s20] =	ssyncadd.s32 $0xFFFFFFB0  }
0xcf: {  	[tilespmem:s0], [sflag:$0x5] =	stream.indirect.gather [hbm4b:s6+s24], $0x40, s18, s24, $0xb8;
	[tilespmem:$0x15330] =	vst v63  }
0xd0: {  	_ =	swait.ge [sflag:s21], $0x1400  }
0xd1: {  	[sflag:s21] =	ssyncset.done $0x0  }
0xd2: {  	[sflag:s21] =	ssyncadd.s32 $0xFFFFEC00  }
0xd3: {  	[spmem:s3] =	stream.indirect.scatter.add.f32 [tilespmem:s25], [sflag:$0x6], $0x40, s2, s24, $0xb8;
	[tilespmem:$0x15330] =	vst v63  }
0xd4: {  	_ =	swait.ge [sflag:s20], $0x1400  }
0xd5: {  	[sflag:s20] =	ssyncset.done $0x0  }
0xd6: {  	[sflag:s20] =	ssyncadd.s32 $0xFFFFEC00  }
0xd7: {  	[spmem:s4] =	stream.indirect.scatter.add.f32 [tilespmem:s23], [sflag:$0x6], $0x1, s2, s24, $0xb8;
	[tilespmem:$0x15330] =	vst v63  }
0xd8: {  	_ =	swait.ge [sflag:s20], $0x50  }
0xd9: {  	[sflag:s20] =	ssyncset.done $0x0  }
0xda: {  	[sflag:s20] =	ssyncadd.s32 $0xFFFFFFB0  }
0xdb: {  	_ =	swait.ge [sflag:s9], $0x1400  }
0xdc: {  	[sflag:s9] =	ssyncset.done $0x0  }
0xdd: {  	[sflag:s9] =	ssyncadd.s32 $0xFFFFEC00  }
0xde: {  	[spmem:s3] =	stream.indirect.scatter.add.f32 [tilespmem:s26], [sflag:$0x6], $0x40, s8, s24, $0xb8;
	[tilespmem:$0x15330] =	vst v63  }
0xdf: {  	_ =	swait.ge [sflag:s20], $0x1400  }
0xe0: {  	[sflag:s20] =	ssyncset.done $0x0  }
0xe1: {  	[sflag:s20] =	ssyncadd.s32 $0xFFFFEC00  }
0xe2: {  	[spmem:s4] =	stream.indirect.scatter.add.f32 [tilespmem:s23], [sflag:$0x6], $0x1, s8, s24, $0xb8;
	[tilespmem:$0x15330] =	vst v63  }
0xe3: {  	_ =	swait.ge [sflag:s20], $0x50  }
0xe4: {  	[sflag:s20] =	ssyncset.done $0x0  }
0xe5: {  	[sflag:s20] =	ssyncadd.s32 $0xFFFFFFB0  }
0xe6: {  	_ =	swait.ge [sflag:s28], $0x1400  }
0xe7: {  	[sflag:s28] =	ssyncset.done $0x0  }
0xe8: {  	[sflag:s28] =	ssyncadd.s32 $0xFFFFEC00  }
0xe9: {  	[spmem:s3] =	stream.indirect.scatter.add.f32 [tilespmem:s29], [sflag:$0x6], $0x40, s11, s24, $0xb8;
	[tilespmem:$0x15330] =	vst v63  }
0xea: {  	_ =	swait.ge [sflag:s20], $0x1400  }
0xeb: {  	[sflag:s20] =	ssyncset.done $0x0  }
0xec: {  	[sflag:s20] =	ssyncadd.s32 $0xFFFFEC00  }
0xed: {  	[spmem:s4] =	stream.indirect.scatter.add.f32 [tilespmem:s23], [sflag:$0x6], $0x1, s11, s24, $0xb8;
	[tilespmem:$0x15330] =	vst v63  }
0xee: {  	_ =	swait.ge [sflag:s20], $0x50  }
0xef: {  	[sflag:s20] =	ssyncset.done $0x0  }
0xf0: {  	[sflag:s20] =	ssyncadd.s32 $0xFFFFFFB0  }
0xf1: {  	_ =	swait.ge [sflag:s30], $0x1400  }
0xf2: {  	[sflag:s30] =	ssyncset.done $0x0  }
0xf3: {  	[sflag:s30] =	ssyncadd.s32 $0xFFFFEC00  }
0xf4: {  	[spmem:s3] =	stream.indirect.scatter.add.f32 [tilespmem:s31], [sflag:$0x6], $0x40, s12, s24, $0xb8;
	[tilespmem:$0x15330] =	vst v63  }
0xf5: {  	_ =	swait.ge [sflag:s20], $0x1400  }
0xf6: {  	[sflag:s20] =	ssyncset.done $0x0  }
0xf7: {  	[sflag:s20] =	ssyncadd.s32 $0xFFFFEC00  }
0xf8: {  	[spmem:s4] =	stream.indirect.scatter.add.f32 [tilespmem:s23], [sflag:$0x6], $0x1, s12, s24, $0xb8;
	[tilespmem:$0x15330] =	vst v63  }
0xf9: {  	_ =	swait.ge [sflag:s20], $0x50  }
0xfa: {  	[sflag:s20] =	ssyncset.done $0x0  }
0xfb: {  	[sflag:s20] =	ssyncadd.s32 $0xFFFFFFB0  }
0xfc: {  	_ =	swait.ge [sflag:s10], $0x1400  }
0xfd: {  	[sflag:s10] =	ssyncset.done $0x0  }
0xfe: {  	[sflag:s10] =	ssyncadd.s32 $0xFFFFEC00  }
0xff: {  	[spmem:s3] =	stream.indirect.scatter.add.f32 [tilespmem:s0], [sflag:$0x6], $0x40, s13, s24, $0xb8;
	[tilespmem:$0x15330] =	vst v63  }
0x100: {  	_ =	swait.ge [sflag:s20], $0x1400  }
0x101: {  	[sflag:s20] =	ssyncset.done $0x0  }
0x102: {  	[sflag:s20] =	ssyncadd.s32 $0xFFFFEC00  }
0x103: {  	[spmem:s4] =	stream.indirect.scatter.add.f32 [tilespmem:s23], [sflag:$0x6], $0x1, s13, s24, $0xb8;
	[tilespmem:$0x15330] =	vst v63  }
0x104: {  	_ =	swait.ge [sflag:s20], $0x50  }
0x105: {  	s16 =	sld [smem:$0x7FB];
	_ =	sdelay $0x1  }
0x106: {  	[sflag:s20] =	ssyncset.done $0x0  }
0x107: {  	[sflag:s20] =	ssyncadd.s32 $0xFFFFFFB0;
	p1 =	seq.s32 s16, $0x1  }
0x108: {  	[bflag:$0x0] =	sbarrier.arrive $0xFFFF;
	s16 =	sshll.u32 @p1 s1, $0x6  }
0x109: {  	s19 =	rddreg [dreg:$0xc];
	s18 =	sshrl.u32 @p1 s17, $0x3;
	s16 =	sor.u32 @p1 $0x1C06, s16  }
0x10a: {  	[hbm:s19], [sflag:s16] =	dma.local @p1 [spmem:s18], $0x1400  }
0x10b: {  	s16 =	simm.s32 @p1 $0x6  }
0x10c: {  	_ =	swait.ge @p1 [sflag:s16], $0x1400  }
0x10d: {  	s18 =	sshll.u32 @!p6 s1, $0x6;
	[sflag:s16] =	ssyncset.done @p1 $0x0;
	s19 =	rddreg [dreg:$0xd]  }
0x10e: {  	[sflag:s16] =	ssyncadd.s32 @p1 $0xFFFFEC00;
	s16 =	sor.u32 @!p6 $0x1C06, s18;
	s18 =	sshrl.u32 @!p6 s17, $0x3  }
0x10f: {  	[hbm:s19], [sflag:s16] =	dma.local @!p6 [spmem:s18], $0x1400  }
0x110: {  	s16 =	sld [smem:$0x7FC]  }
0x111: {  	s18 =	sld [smem:$0x7FD];
	_ =	sdelay $0x1  }
0x112: {  	p3 =	por @!p6 $0x1, $0x1;
	p2 =	seq.s32 s16, $0x1  }
0x113: {  	p1 =	seq.s32 s18, $0x1;
	p2 =	por @!p6 p3, p3  }
0x114: {  	p3 =	por @!p1 !p2, !p0  }
0x115: {  	p3 =	por @!p1 !p3, !p3  }
0x116: {  	p3 =	por p1, p3  }
.Ltmp3:
0x117: {  	_ = 	snop;
	(pc) =	sbr.rel @!p3 .LBB2_5-.Ltmp3, $4  }
0x118: {  	s16 =	simm.s32 @!p6 $0x6  }
0x119: {  	_ =	swait.ge @!p6 [sflag:s16], $0x1400  }
0x11a: {  	[sflag:s16] =	ssyncset.done @!p6 $0x0  }
0x11b: {  	[sflag:s16] =	ssyncadd.s32 @!p6 $0xFFFFEC00  }
0x11c: {  	s16 =	rddreg [dreg:$0x7]  }
0x11d: {  	s18 =	rddreg [dreg:$0x6]  }
0x11e: {  	s19 =	simm.s32 $0x1FC6;
	s16 =	smov.u32 @p1 s18  }
.Ltmp4:
0x11f: {  	s18 =	sshrl.u32 s15, $0x3;
	s16 =	sadd.s32 $0x12C00, s16;
	(pc) =	sbr.rel .LBB2_5-.Ltmp4, $4  }
0x120: {  	[hbm:s16], [sflag:s19] =	dma.local [spmem:s18], $0xC80  }
0x121: {  	p3 =	por $0x0, $0x0;
	_ =	swait.ge [sflag:s20], $0xC80  }
0x122: {  	p3 =	por @!p1 p2, p2;
	[sflag:s20] =	ssyncset.done $0x0  }
0x123: {  	p2 =	por p3, p3;
	[sflag:s20] =	ssyncadd.s32 $0xFFFFF380  }
.LBB2_6:
0x124: {  	_ =	sfence.sel $0x180000  }
0x125: {  	[bflag:$0x0] =	sbarrier.arrive $0xFFFF  }
0x126: {  	_ =	strace $0x90000047  }
0x127: {  	[bflag:$0x2] =	sbarrier.arrive $0xFFFF  }
0x128: {  	s0 =	rddreg [dreg:$0x4]  }
0x129: {  	s0 =	sadd.s32 @!p4 $0x100000, s0  }
0x12a: {  	[sflag:s0] =	ssyncadd.tile.s32 @!p4 $0x1;
	_ =	shalt  }
.Lfunc_end2:
_tile_overlayer_lowered:
.L_overlay_start_2:
0x12b: {  	(tag) =	ssettag $0x2  }
0x12c: {  	s0 =	rddreg [dreg:$0x0];
	s2 =	stileid.u32  }
0x12d: {  	s1 =	rddreg [dreg:$0x1];
	p0 =	sne.s32 s2, $0x0  }
0x12e: {  	s3 =	rddreg [dreg:$0x2];
	[bflag:$0x3] =	sbarrier.arrive $0xFFFF;
	s2 =	simm.s32 @!p0 $0x1C06  }
0x12f: {  	[timem:s3], [sflag:s2] =	dma.local @!p0 [hbm:s0], s1  }
0x130: {  	s0 =	simm.s32 @!p0 $0x6  }
0x131: {  	_ =	swait.ge @!p0 [sflag:s0], s1  }
0x132: {  	s1 =	ssub.s32 @!p0 $0x0, s1;
	[sflag:s0] =	ssyncset.done @!p0 $0x0  }
0x133: {  	[sflag:s0] =	ssyncadd.s32 @!p0 s1  }
0x134: {  	[bflag:$0x3] =	sbarrier.arrive $0xFFFF  }
0x135: {  	_ =	shalt  }

</sc_bundles>
